<compile_context>
chip_gen: v7x
topology: tpu7x:2x2x1
jax: 0.10.2.dev20260603
libtpu: 0.0.44.dev20260713+nightly
codegen_flags: <defaults>
</compile_context>

<pallas_src>
import functools

import jax
import jax.numpy as jnp
from jax import lax
from jax.experimental import pallas as pl
from jax.experimental.pallas import tpu as pltpu
from jax.experimental.pallas import tpu_sc as plsc

N = 10000
E = 320000
D = 128
H = 64
R = 8
NPAD = 10240
CHUNK = 128
ECH = E // CHUNK
BIGT = 4
CHT = 157
HALF = 78
ROWS_PER_TILE = NPAD // 16
ZCHUNK = 128
NZ = ROWS_PER_TILE // ZCHUNK
NBLK = 50
BLK = 200


def _mm_body(x_ref, wlo_ref, whi_ref, wself_ref, tlo_ref, thi_ref, tself_ref):
    x = x_ref[...]
    tlo_ref[...] = jnp.dot(x, wlo_ref[...], preferred_element_type=jnp.float32)
    thi_ref[...] = jnp.dot(x, whi_ref[...], preferred_element_type=jnp.float32)
    tself_ref[...] = jnp.dot(x, wself_ref[...], preferred_element_type=jnp.float32)


def _idx_body(src_ref, typ_ref, out_ref):
    out_ref[...] = src_ref[...] * R + typ_ref[...]


def _combine_body(tself_ref, b_ref, agg_ref, deg_ref, out_ref):
    deg = jnp.maximum(deg_ref[0, :, 0:1] + deg_ref[1, :, 0:1], 1.0)
    agg = jnp.concatenate([agg_ref[0], agg_ref[1]], axis=1)
    out_ref[...] = jnp.maximum(
        tself_ref[...] + b_ref[0:1, :] + agg / deg, 0.0)


def _sc_edge_kernel(t9_lo, t9_hi, gidx, didx, z64, z16, ones16, dummy_g,
                    dummy_d,
                    agg_out, deg_out,
                    gidx_v, didx_v, rows0_v, rows1_v, z64_v, z16_v, ones_v,
                    agg_sh, deg_sh, sem0, sem1):
    c = lax.axis_index("c")
    s = lax.axis_index("s")

    pltpu.sync_copy(z64, z64_v)
    pltpu.sync_copy(z16, z16_v)
    pltpu.sync_copy(ones16, ones_v)

    for k in range(NZ):
        base = s * ROWS_PER_TILE + k * ZCHUNK
        pltpu.sync_copy(z64_v, agg_sh.at[pl.ds(base, ZCHUNK)])
        pltpu.sync_copy(z16_v, deg_sh.at[pl.ds(base, ZCHUNK)])
    plsc.subcore_barrier()

    @pl.when(s < BIGT)
    def _():
        pltpu.sync_copy(gidx.at[pl.ds(s * CHT, CHT)], gidx_v)
        pltpu.sync_copy(didx.at[pl.ds(s * CHT, CHT)], didx_v)

    @pl.when(s >= BIGT)
    def _():
        start = s * (CHT - 1) + BIGT
        pltpu.sync_copy(gidx.at[pl.ds(start, CHT - 1)],
                        gidx_v.at[pl.ds(0, CHT - 1)])
        pltpu.sync_copy(didx.at[pl.ds(start, CHT - 1)],
                        didx_v.at[pl.ds(0, CHT - 1)])
        pltpu.sync_copy(dummy_g, gidx_v.at[pl.ds(CHT - 1, 1)])
        pltpu.sync_copy(dummy_d, didx_v.at[pl.ds(CHT - 1, 1)])

    def start_gather(j, rows, sem):
        @pl.when(c == 0)
        def _():
            pltpu.async_copy(t9_lo.at[gidx_v.at[j]], rows, sem)

        @pl.when(c == 1)
        def _():
            pltpu.async_copy(t9_hi.at[gidx_v.at[j]], rows, sem)

    def wait_gather(j, rows, sem):
        @pl.when(c == 0)
        def _():
            pltpu.make_async_copy(t9_lo.at[gidx_v.at[j]], rows, sem).wait()

        @pl.when(c == 1)
        def _():
            pltpu.make_async_copy(t9_hi.at[gidx_v.at[j]], rows, sem).wait()

    def scatter(j, rows):
        pltpu.sync_copy(rows, agg_sh.at[didx_v.at[j]], add=True)
        @pl.when((j < HALF) == (c == 0))
        def _():
            pltpu.sync_copy(ones_v, deg_sh.at[didx_v.at[j]], add=True)

    start_gather(0, rows0_v, sem0)

    def body(i, carry):
        j0 = 2 * i
        wait_gather(j0, rows0_v, sem0)
        start_gather(j0 + 1, rows1_v, sem1)
        scatter(j0, rows0_v)
        wait_gather(j0 + 1, rows1_v, sem1)
        start_gather(j0 + 2, rows0_v, sem0)
        scatter(j0 + 1, rows1_v)
        return carry

    lax.fori_loop(0, CHT // 2, body, 0)
    wait_gather(CHT - 1, rows0_v, sem0)
    scatter(CHT - 1, rows0_v)
    plsc.subcore_barrier()

    pltpu.sync_copy(agg_sh.at[pl.ds(s * ROWS_PER_TILE, ROWS_PER_TILE)],
                    agg_out.at[pl.ds(c * NPAD + s * ROWS_PER_TILE,
                                     ROWS_PER_TILE)])
    pltpu.sync_copy(deg_sh.at[pl.ds(s * ROWS_PER_TILE, ROWS_PER_TILE)],
                    deg_out.at[pl.ds(c * NPAD + s * ROWS_PER_TILE,
                                     ROWS_PER_TILE)])


def kernel(x, edge_index, edge_type, rel_weight, W_self, b_self):
    f32 = jnp.float32
    x = x.astype(f32)
    src = edge_index[0].astype(jnp.int32)
    dst = edge_index[1].astype(jnp.int32)
    typ = edge_type.astype(jnp.int32)

    rw = jnp.transpose(rel_weight.astype(f32), (1, 0, 2))
    w_lo = rw[:, :, :H].reshape(D, R * H)
    w_hi = rw[:, :, H:].reshape(D, R * H)

    t_lo, t_hi, t_self = pl.pallas_call(
        _mm_body,
        grid=(NBLK,),
        in_specs=[pl.BlockSpec((BLK, D), lambda i: (i, 0)),
                  pl.BlockSpec((D, R * H), lambda i: (0, 0)),
                  pl.BlockSpec((D, R * H), lambda i: (0, 0)),
                  pl.BlockSpec((D, D), lambda i: (0, 0))],
        out_specs=[pl.BlockSpec((BLK, R * H), lambda i: (i, 0)),
                   pl.BlockSpec((BLK, R * H), lambda i: (i, 0)),
                   pl.BlockSpec((BLK, D), lambda i: (i, 0))],
        out_shape=[jax.ShapeDtypeStruct((N, R * H), f32),
                   jax.ShapeDtypeStruct((N, R * H), f32),
                   jax.ShapeDtypeStruct((N, D), f32)],
    )(x, w_lo, w_hi, W_self.astype(f32))
    t9_lo = t_lo.reshape(N * R, H)
    t9_hi = t_hi.reshape(N * R, H)

    srcp = src.reshape(ECH, CHUNK)
    typp = typ.reshape(ECH, CHUNK)
    didx = dst.reshape(ECH, CHUNK)

    gidx = pl.pallas_call(
        _idx_body,
        in_specs=[pl.BlockSpec(srcp.shape, lambda: (0, 0))] * 2,
        out_specs=pl.BlockSpec(srcp.shape, lambda: (0, 0)),
        out_shape=jax.ShapeDtypeStruct(srcp.shape, jnp.int32),
    )(srcp, typp)

    z64 = jnp.zeros((ZCHUNK, H), f32)
    z16 = jnp.zeros((ZCHUNK, 16), f32)
    ones16 = jnp.ones((CHUNK, 16), f32)
    dummy_g = jnp.zeros((1, CHUNK), jnp.int32)
    dummy_d = jnp.full((1, CHUNK), N, jnp.int32)

    mesh = plsc.VectorSubcoreMesh(core_axis_name="c", subcore_axis_name="s")
    sc_call = functools.partial(
        pl.kernel, mesh=mesh,
        out_type=(jax.ShapeDtypeStruct((2 * NPAD, H), f32),
                  jax.ShapeDtypeStruct((2 * NPAD, 16), f32)),
        compiler_params=pltpu.CompilerParams(use_tc_tiling_on_sc=False),
        scratch_types=[
            pltpu.VMEM((CHT, CHUNK), jnp.int32),
            pltpu.VMEM((CHT, CHUNK), jnp.int32),
            pltpu.VMEM((CHUNK, H), f32),
            pltpu.VMEM((CHUNK, H), f32),
            pltpu.VMEM((ZCHUNK, H), f32),
            pltpu.VMEM((ZCHUNK, 16), f32),
            pltpu.VMEM((CHUNK, 16), f32),
            pltpu.VMEM_SHARED((NPAD, H), f32),
            pltpu.VMEM_SHARED((NPAD, 16), f32),
            pltpu.SemaphoreType.DMA,
            pltpu.SemaphoreType.DMA,
        ],
    )(_sc_edge_kernel)
    agg_flat, deg_flat = sc_call(t9_lo, t9_hi, gidx, didx, z64, z16, ones16,
                                 dummy_g, dummy_d)
    agg = agg_flat.reshape(2, NPAD, H)
    degtab = deg_flat.reshape(2, NPAD, 16)

    b_tile = jnp.tile(b_self.astype(f32).reshape(1, D), (8, 1))
    out = pl.pallas_call(
        _combine_body,
        grid=(NBLK,),
        in_specs=[pl.BlockSpec((BLK, D), lambda i: (i, 0)),
                  pl.BlockSpec((8, D), lambda i: (0, 0)),
                  pl.BlockSpec((2, BLK, H), lambda i: (0, i, 0)),
                  pl.BlockSpec((2, BLK, 16), lambda i: (0, i, 0))],
        out_specs=pl.BlockSpec((BLK, D), lambda i: (i, 0)),
        out_shape=jax.ShapeDtypeStruct((N, D), f32),
    )(t_self, b_tile, agg, degtab)
    return out

# --- scband reference (transcript-rebuilt; emitter-appended) ---
"""Pipeline reference for scband-gra-ilconv-layer-43928925504175 (READ-ONLY COPY).

The authoritative reference and input builder live on the scoring server;
editing this copy changes nothing except your own understanding.
"""

import jax, jax.numpy as jnp
import numpy as np

N = 10000
E = 320000
D_IN = 128
D_OUT = 128
R = 8


def setup_inputs(seed: int = 0) -> dict:
    key = jax.random.key(seed)
    k1, k2, k3, k4, k5, k6 = jax.random.split(key, 6)
    x = jax.random.normal(k1, (N, D_IN), dtype=jnp.float32)
    edge_index = jax.random.randint(k2, (2, E), 0, N)
    edge_type = jax.random.randint(k3, (E,), 0, R)
    # learned params (xavier-ish scale)
    rel_scale = float(np.sqrt(6.0 / (D_IN + D_OUT)))
    rel_weight = jax.random.uniform(k4, (R, D_IN, D_OUT), dtype=jnp.float32, minval=-rel_scale, maxval=rel_scale)
    W_self = jax.random.uniform(k5, (D_IN, D_OUT), dtype=jnp.float32, minval=-rel_scale, maxval=rel_scale)
    b_self = jnp.zeros((D_OUT,), dtype=jnp.float32)
    return {"x": x, "edge_index": edge_index, "edge_type": edge_type,
            "rel_weight": rel_weight, "W_self": W_self, "b_self": b_self}


def reference(x, edge_index, edge_type, rel_weight, W_self, b_self):
    n = x.shape[0]
    num_rel = rel_weight.shape[0]
    out = x @ W_self + b_self  # self-loop linear
    src = edge_index[0]
    dst = edge_index[1]
    out_dim = out.shape[1]
    agg = jnp.zeros((n, out_dim), dtype=x.dtype)
    x_src = jnp.take(x, src, axis=0)  # gather source features [E, D_IN]
    for r_idx in range(num_rel):
        mask = (edge_type == r_idx).astype(x.dtype)[:, None]
        # masking before the matmul is linear-equivalent to masking after
        msg_r = (x_src * mask) @ rel_weight[r_idx]  # [E, D_OUT]
        agg = agg.at[dst].add(msg_r)  # scatter-add into dst nodes
    deg = jnp.zeros((n,), dtype=x.dtype).at[dst].add(1.0)
    deg = jnp.clip(deg, 1.0, None)[:, None]
    out = out + agg / deg
    return jax.nn.relu(out)

if __name__ == "__main__":
    import jax
    _d = setup_inputs()
    print(jax.jit(kernel)(*tuple(_d.values())))

</pallas_src>

<mosaic_0001>
#map = affine_map<(d0, d1) -> (0, 0)>
module attributes {stable_mosaic.version = 14 : i64} {
  func.func @_sc_edge_kernel(%arg0: i32, %arg1: i32, %arg2: memref<80000x64xf32, #tpu.memory_space<hbm>>, %arg3: memref<80000x64xf32, #tpu.memory_space<hbm>>, %arg4: memref<2500x128xi32, #tpu.memory_space<hbm>>, %arg5: memref<2500x128xi32, #tpu.memory_space<hbm>>, %arg6: memref<128x64xf32, #tpu.memory_space<hbm>>, %arg7: memref<128x16xf32, #tpu.memory_space<hbm>>, %arg8: memref<128x16xf32, #tpu.memory_space<hbm>>, %arg9: memref<1x128xi32, #tpu.memory_space<hbm>>, %arg10: memref<1x128xi32, #tpu.memory_space<hbm>>, %arg11: memref<20480x64xf32, #tpu.memory_space<hbm>>, %arg12: memref<20480x16xf32, #tpu.memory_space<hbm>>, %arg13: memref<157x128xi32, #tpu.memory_space<vmem>>, %arg14: memref<157x128xi32, #tpu.memory_space<vmem>>, %arg15: memref<128x64xf32, #tpu.memory_space<vmem>>, %arg16: memref<128x64xf32, #tpu.memory_space<vmem>>, %arg17: memref<128x64xf32, #tpu.memory_space<vmem>>, %arg18: memref<128x16xf32, #tpu.memory_space<vmem>>, %arg19: memref<128x16xf32, #tpu.memory_space<vmem>>, %arg20: memref<10240x64xf32, #tpu.memory_space<vmem_shared>>, %arg21: memref<10240x16xf32, #tpu.memory_space<vmem_shared>>, %arg22: memref<!tpu.dma_semaphore, #tpu.memory_space<semaphore_mem>>, %arg23: memref<!tpu.dma_semaphore, #tpu.memory_space<semaphore_mem>>) attributes {dimension_semantics = [#tpu.dimension_semantics<core_parallel>, #tpu.dimension_semantics<subcore_parallel>], iteration_bounds = array<i64: 2, 16>, scalar_prefetch = 0 : i64, scratch_operands = 11 : i64, tpu.core_type = #tpu.core_type<sc_vector_subcore>, window_params = [{transform_indices = #map}, {transform_indices = #map}, {transform_indices = #map}, {transform_indices = #map}, {transform_indices = #map}, {transform_indices = #map}, {transform_indices = #map}, {transform_indices = #map}, {transform_indices = #map}, {transform_indices = #map}, {transform_indices = #map}]} {
    "tpu.region"() ({
      %run_scoped3A_72 = tpu.sem_alloc : memref<!tpu.dma_semaphore, #tpu.memory_space<semaphore_mem>>
      tpu.enqueue_dma source(%arg6 : memref<128x64xf32, #tpu.memory_space<hbm>>) target(%arg17 : memref<128x64xf32, #tpu.memory_space<vmem>>) target_semaphore(%run_scoped3A_72 : memref<!tpu.dma_semaphore, #tpu.memory_space<semaphore_mem>>)
      tpu.wait_dma2 semaphore(%run_scoped3A_72 : memref<!tpu.dma_semaphore, #tpu.memory_space<semaphore_mem>>) src(%arg6 : memref<128x64xf32, #tpu.memory_space<hbm>>) dst(%arg17 : memref<128x64xf32, #tpu.memory_space<vmem>>)
      tpu.yield
    }) : () -> ()
    "tpu.region"() ({
      %run_scoped3A_72 = tpu.sem_alloc : memref<!tpu.dma_semaphore, #tpu.memory_space<semaphore_mem>>
      tpu.enqueue_dma source(%arg7 : memref<128x16xf32, #tpu.memory_space<hbm>>) target(%arg18 : memref<128x16xf32, #tpu.memory_space<vmem>>) target_semaphore(%run_scoped3A_72 : memref<!tpu.dma_semaphore, #tpu.memory_space<semaphore_mem>>)
      tpu.wait_dma2 semaphore(%run_scoped3A_72 : memref<!tpu.dma_semaphore, #tpu.memory_space<semaphore_mem>>) src(%arg7 : memref<128x16xf32, #tpu.memory_space<hbm>>) dst(%arg18 : memref<128x16xf32, #tpu.memory_space<vmem>>)
      tpu.yield
    }) : () -> ()
    "tpu.region"() ({
      %run_scoped3A_72 = tpu.sem_alloc : memref<!tpu.dma_semaphore, #tpu.memory_space<semaphore_mem>>
      tpu.enqueue_dma source(%arg8 : memref<128x16xf32, #tpu.memory_space<hbm>>) target(%arg19 : memref<128x16xf32, #tpu.memory_space<vmem>>) target_semaphore(%run_scoped3A_72 : memref<!tpu.dma_semaphore, #tpu.memory_space<semaphore_mem>>)
      tpu.wait_dma2 semaphore(%run_scoped3A_72 : memref<!tpu.dma_semaphore, #tpu.memory_space<semaphore_mem>>) src(%arg8 : memref<128x16xf32, #tpu.memory_space<hbm>>) dst(%arg19 : memref<128x16xf32, #tpu.memory_space<vmem>>)
      tpu.yield
    }) : () -> ()
    %mul3A = arith.constant 640 : i32
    %mul3A_0 = arith.muli %arg1, %mul3A : i32
    %add3A = arith.constant 0 : i32
    %add3A_1 = arith.addi %mul3A_0, %add3A : i32
    "tpu.region"() ({
      %run_scoped3A_72 = tpu.sem_alloc : memref<!tpu.dma_semaphore, #tpu.memory_space<semaphore_mem>>
      %dma_start3A = arith.constant 0 : i32
      %dma_start3A_73 = tpu.memref_slice %arg20[%add3A_1, %dma_start3A] : memref<10240x64xf32, #tpu.memory_space<vmem_shared>> -> memref<128x64xf32, #tpu.memory_space<vmem_shared>>
      %dma_start3A_74 = arith.constant 0 : i32
      %dma_start3A_75 = tpu.memref_slice %arg20[%add3A_1, %dma_start3A_74] : memref<10240x64xf32, #tpu.memory_space<vmem_shared>> -> memref<128x64xf32, #tpu.memory_space<vmem_shared>>
      tpu.enqueue_dma source(%arg17 : memref<128x64xf32, #tpu.memory_space<vmem>>) target(%dma_start3A_75 : memref<128x64xf32, #tpu.memory_space<vmem_shared>>) target_semaphore(%run_scoped3A_72 : memref<!tpu.dma_semaphore, #tpu.memory_space<semaphore_mem>>)
      %dma_wait3A = arith.constant 0 : i32
      %dma_wait3A_76 = tpu.memref_slice %arg20[%add3A_1, %dma_wait3A] : memref<10240x64xf32, #tpu.memory_space<vmem_shared>> -> memref<128x64xf32, #tpu.memory_space<vmem_shared>>
      %dma_wait3A_77 = arith.constant 0 : i32
      %dma_wait3A_78 = tpu.memref_slice %arg20[%add3A_1, %dma_wait3A_77] : memref<10240x64xf32, #tpu.memory_space<vmem_shared>> -> memref<128x64xf32, #tpu.memory_space<vmem_shared>>
      tpu.wait_dma2 semaphore(%run_scoped3A_72 : memref<!tpu.dma_semaphore, #tpu.memory_space<semaphore_mem>>) src(%arg17 : memref<128x64xf32, #tpu.memory_space<vmem>>) dst(%dma_wait3A_78 : memref<128x64xf32, #tpu.memory_space<vmem_shared>>)
      tpu.yield
    }) : () -> ()
    "tpu.region"() ({
      %run_scoped3A_72 = tpu.sem_alloc : memref<!tpu.dma_semaphore, #tpu.memory_space<semaphore_mem>>
      %dma_start3A = arith.constant 0 : i32
      %dma_start3A_73 = tpu.memref_slice %arg21[%add3A_1, %dma_start3A] : memref<10240x16xf32, #tpu.memory_space<vmem_shared>> -> memref<128x16xf32, #tpu.memory_space<vmem_shared>>
      %dma_start3A_74 = arith.constant 0 : i32
      %dma_start3A_75 = tpu.memref_slice %arg21[%add3A_1, %dma_start3A_74] : memref<10240x16xf32, #tpu.memory_space<vmem_shared>> -> memref<128x16xf32, #tpu.memory_space<vmem_shared>>
      tpu.enqueue_dma source(%arg18 : memref<128x16xf32, #tpu.memory_space<vmem>>) target(%dma_start3A_75 : memref<128x16xf32, #tpu.memory_space<vmem_shared>>) target_semaphore(%run_scoped3A_72 : memref<!tpu.dma_semaphore, #tpu.memory_space<semaphore_mem>>)
      %dma_wait3A = arith.constant 0 : i32
      %dma_wait3A_76 = tpu.memref_slice %arg21[%add3A_1, %dma_wait3A] : memref<10240x16xf32, #tpu.memory_space<vmem_shared>> -> memref<128x16xf32, #tpu.memory_space<vmem_shared>>
      %dma_wait3A_77 = arith.constant 0 : i32
      %dma_wait3A_78 = tpu.memref_slice %arg21[%add3A_1, %dma_wait3A_77] : memref<10240x16xf32, #tpu.memory_space<vmem_shared>> -> memref<128x16xf32, #tpu.memory_space<vmem_shared>>
      tpu.wait_dma2 semaphore(%run_scoped3A_72 : memref<!tpu.dma_semaphore, #tpu.memory_space<semaphore_mem>>) src(%arg18 : memref<128x16xf32, #tpu.memory_space<vmem>>) dst(%dma_wait3A_78 : memref<128x16xf32, #tpu.memory_space<vmem_shared>>)
      tpu.yield
    }) : () -> ()
    %mul3A_2 = arith.constant 640 : i32
    %mul3A_3 = arith.muli %arg1, %mul3A_2 : i32
    %add3A_4 = arith.constant 128 : i32
    %add3A_5 = arith.addi %mul3A_3, %add3A_4 : i32
    "tpu.region"() ({
      %run_scoped3A_72 = tpu.sem_alloc : memref<!tpu.dma_semaphore, #tpu.memory_space<semaphore_mem>>
      %dma_start3A = arith.constant 0 : i32
      %dma_start3A_73 = tpu.memref_slice %arg20[%add3A_5, %dma_start3A] : memref<10240x64xf32, #tpu.memory_space<vmem_shared>> -> memref<128x64xf32, #tpu.memory_space<vmem_shared>>
      %dma_start3A_74 = arith.constant 0 : i32
      %dma_start3A_75 = tpu.memref_slice %arg20[%add3A_5, %dma_start3A_74] : memref<10240x64xf32, #tpu.memory_space<vmem_shared>> -> memref<128x64xf32, #tpu.memory_space<vmem_shared>>
      tpu.enqueue_dma source(%arg17 : memref<128x64xf32, #tpu.memory_space<vmem>>) target(%dma_start3A_75 : memref<128x64xf32, #tpu.memory_space<vmem_shared>>) target_semaphore(%run_scoped3A_72 : memref<!tpu.dma_semaphore, #tpu.memory_space<semaphore_mem>>)
      %dma_wait3A = arith.constant 0 : i32
      %dma_wait3A_76 = tpu.memref_slice %arg20[%add3A_5, %dma_wait3A] : memref<10240x64xf32, #tpu.memory_space<vmem_shared>> -> memref<128x64xf32, #tpu.memory_space<vmem_shared>>
      %dma_wait3A_77 = arith.constant 0 : i32
      %dma_wait3A_78 = tpu.memref_slice %arg20[%add3A_5, %dma_wait3A_77] : memref<10240x64xf32, #tpu.memory_space<vmem_shared>> -> memref<128x64xf32, #tpu.memory_space<vmem_shared>>
      tpu.wait_dma2 semaphore(%run_scoped3A_72 : memref<!tpu.dma_semaphore, #tpu.memory_space<semaphore_mem>>) src(%arg17 : memref<128x64xf32, #tpu.memory_space<vmem>>) dst(%dma_wait3A_78 : memref<128x64xf32, #tpu.memory_space<vmem_shared>>)
      tpu.yield
    }) : () -> ()
    "tpu.region"() ({
      %run_scoped3A_72 = tpu.sem_alloc : memref<!tpu.dma_semaphore, #tpu.memory_space<semaphore_mem>>
      %dma_start3A = arith.constant 0 : i32
      %dma_start3A_73 = tpu.memref_slice %arg21[%add3A_5, %dma_start3A] : memref<10240x16xf32, #tpu.memory_space<vmem_shared>> -> memref<128x16xf32, #tpu.memory_space<vmem_shared>>
      %dma_start3A_74 = arith.constant 0 : i32
      %dma_start3A_75 = tpu.memref_slice %arg21[%add3A_5, %dma_start3A_74] : memref<10240x16xf32, #tpu.memory_space<vmem_shared>> -> memref<128x16xf32, #tpu.memory_space<vmem_shared>>
      tpu.enqueue_dma source(%arg18 : memref<128x16xf32, #tpu.memory_space<vmem>>) target(%dma_start3A_75 : memref<128x16xf32, #tpu.memory_space<vmem_shared>>) target_semaphore(%run_scoped3A_72 : memref<!tpu.dma_semaphore, #tpu.memory_space<semaphore_mem>>)
      %dma_wait3A = arith.constant 0 : i32
      %dma_wait3A_76 = tpu.memref_slice %arg21[%add3A_5, %dma_wait3A] : memref<10240x16xf32, #tpu.memory_space<vmem_shared>> -> memref<128x16xf32, #tpu.memory_space<vmem_shared>>
      %dma_wait3A_77 = arith.constant 0 : i32
      %dma_wait3A_78 = tpu.memref_slice %arg21[%add3A_5, %dma_wait3A_77] : memref<10240x16xf32, #tpu.memory_space<vmem_shared>> -> memref<128x16xf32, #tpu.memory_space<vmem_shared>>
      tpu.wait_dma2 semaphore(%run_scoped3A_72 : memref<!tpu.dma_semaphore, #tpu.memory_space<semaphore_mem>>) src(%arg18 : memref<128x16xf32, #tpu.memory_space<vmem>>) dst(%dma_wait3A_78 : memref<128x16xf32, #tpu.memory_space<vmem_shared>>)
      tpu.yield
    }) : () -> ()
    %mul3A_6 = arith.constant 640 : i32
    %mul3A_7 = arith.muli %arg1, %mul3A_6 : i32
    %add3A_8 = arith.constant 256 : i32
    %add3A_9 = arith.addi %mul3A_7, %add3A_8 : i32
    "tpu.region"() ({
      %run_scoped3A_72 = tpu.sem_alloc : memref<!tpu.dma_semaphore, #tpu.memory_space<semaphore_mem>>
      %dma_start3A = arith.constant 0 : i32
      %dma_start3A_73 = tpu.memref_slice %arg20[%add3A_9, %dma_start3A] : memref<10240x64xf32, #tpu.memory_space<vmem_shared>> -> memref<128x64xf32, #tpu.memory_space<vmem_shared>>
      %dma_start3A_74 = arith.constant 0 : i32
      %dma_start3A_75 = tpu.memref_slice %arg20[%add3A_9, %dma_start3A_74] : memref<10240x64xf32, #tpu.memory_space<vmem_shared>> -> memref<128x64xf32, #tpu.memory_space<vmem_shared>>
      tpu.enqueue_dma source(%arg17 : memref<128x64xf32, #tpu.memory_space<vmem>>) target(%dma_start3A_75 : memref<128x64xf32, #tpu.memory_space<vmem_shared>>) target_semaphore(%run_scoped3A_72 : memref<!tpu.dma_semaphore, #tpu.memory_space<semaphore_mem>>)
      %dma_wait3A = arith.constant 0 : i32
      %dma_wait3A_76 = tpu.memref_slice %arg20[%add3A_9, %dma_wait3A] : memref<10240x64xf32, #tpu.memory_space<vmem_shared>> -> memref<128x64xf32, #tpu.memory_space<vmem_shared>>
      %dma_wait3A_77 = arith.constant 0 : i32
      %dma_wait3A_78 = tpu.memref_slice %arg20[%add3A_9, %dma_wait3A_77] : memref<10240x64xf32, #tpu.memory_space<vmem_shared>> -> memref<128x64xf32, #tpu.memory_space<vmem_shared>>
      tpu.wait_dma2 semaphore(%run_scoped3A_72 : memref<!tpu.dma_semaphore, #tpu.memory_space<semaphore_mem>>) src(%arg17 : memref<128x64xf32, #tpu.memory_space<vmem>>) dst(%dma_wait3A_78 : memref<128x64xf32, #tpu.memory_space<vmem_shared>>)
      tpu.yield
    }) : () -> ()
    "tpu.region"() ({
      %run_scoped3A_72 = tpu.sem_alloc : memref<!tpu.dma_semaphore, #tpu.memory_space<semaphore_mem>>
      %dma_start3A = arith.constant 0 : i32
      %dma_start3A_73 = tpu.memref_slice %arg21[%add3A_9, %dma_start3A] : memref<10240x16xf32, #tpu.memory_space<vmem_shared>> -> memref<128x16xf32, #tpu.memory_space<vmem_shared>>
      %dma_start3A_74 = arith.constant 0 : i32
      %dma_start3A_75 = tpu.memref_slice %arg21[%add3A_9, %dma_start3A_74] : memref<10240x16xf32, #tpu.memory_space<vmem_shared>> -> memref<128x16xf32, #tpu.memory_space<vmem_shared>>
      tpu.enqueue_dma source(%arg18 : memref<128x16xf32, #tpu.memory_space<vmem>>) target(%dma_start3A_75 : memref<128x16xf32, #tpu.memory_space<vmem_shared>>) target_semaphore(%run_scoped3A_72 : memref<!tpu.dma_semaphore, #tpu.memory_space<semaphore_mem>>)
      %dma_wait3A = arith.constant 0 : i32
      %dma_wait3A_76 = tpu.memref_slice %arg21[%add3A_9, %dma_wait3A] : memref<10240x16xf32, #tpu.memory_space<vmem_shared>> -> memref<128x16xf32, #tpu.memory_space<vmem_shared>>
      %dma_wait3A_77 = arith.constant 0 : i32
      %dma_wait3A_78 = tpu.memref_slice %arg21[%add3A_9, %dma_wait3A_77] : memref<10240x16xf32, #tpu.memory_space<vmem_shared>> -> memref<128x16xf32, #tpu.memory_space<vmem_shared>>
      tpu.wait_dma2 semaphore(%run_scoped3A_72 : memref<!tpu.dma_semaphore, #tpu.memory_space<semaphore_mem>>) src(%arg18 : memref<128x16xf32, #tpu.memory_space<vmem>>) dst(%dma_wait3A_78 : memref<128x16xf32, #tpu.memory_space<vmem_shared>>)
      tpu.yield
    }) : () -> ()
    %mul3A_10 = arith.constant 640 : i32
    %mul3A_11 = arith.muli %arg1, %mul3A_10 : i32
    %add3A_12 = arith.constant 384 : i32
    %add3A_13 = arith.addi %mul3A_11, %add3A_12 : i32
    "tpu.region"() ({
      %run_scoped3A_72 = tpu.sem_alloc : memref<!tpu.dma_semaphore, #tpu.memory_space<semaphore_mem>>
      %dma_start3A = arith.constant 0 : i32
      %dma_start3A_73 = tpu.memref_slice %arg20[%add3A_13, %dma_start3A] : memref<10240x64xf32, #tpu.memory_space<vmem_shared>> -> memref<128x64xf32, #tpu.memory_space<vmem_shared>>
      %dma_start3A_74 = arith.constant 0 : i32
      %dma_start3A_75 = tpu.memref_slice %arg20[%add3A_13, %dma_start3A_74] : memref<10240x64xf32, #tpu.memory_space<vmem_shared>> -> memref<128x64xf32, #tpu.memory_space<vmem_shared>>
      tpu.enqueue_dma source(%arg17 : memref<128x64xf32, #tpu.memory_space<vmem>>) target(%dma_start3A_75 : memref<128x64xf32, #tpu.memory_space<vmem_shared>>) target_semaphore(%run_scoped3A_72 : memref<!tpu.dma_semaphore, #tpu.memory_space<semaphore_mem>>)
      %dma_wait3A = arith.constant 0 : i32
      %dma_wait3A_76 = tpu.memref_slice %arg20[%add3A_13, %dma_wait3A] : memref<10240x64xf32, #tpu.memory_space<vmem_shared>> -> memref<128x64xf32, #tpu.memory_space<vmem_shared>>
      %dma_wait3A_77 = arith.constant 0 : i32
      %dma_wait3A_78 = tpu.memref_slice %arg20[%add3A_13, %dma_wait3A_77] : memref<10240x64xf32, #tpu.memory_space<vmem_shared>> -> memref<128x64xf32, #tpu.memory_space<vmem_shared>>
      tpu.wait_dma2 semaphore(%run_scoped3A_72 : memref<!tpu.dma_semaphore, #tpu.memory_space<semaphore_mem>>) src(%arg17 : memref<128x64xf32, #tpu.memory_space<vmem>>) dst(%dma_wait3A_78 : memref<128x64xf32, #tpu.memory_space<vmem_shared>>)
      tpu.yield
    }) : () -> ()
    "tpu.region"() ({
      %run_scoped3A_72 = tpu.sem_alloc : memref<!tpu.dma_semaphore, #tpu.memory_space<semaphore_mem>>
      %dma_start3A = arith.constant 0 : i32
      %dma_start3A_73 = tpu.memref_slice %arg21[%add3A_13, %dma_start3A] : memref<10240x16xf32, #tpu.memory_space<vmem_shared>> -> memref<128x16xf32, #tpu.memory_space<vmem_shared>>
      %dma_start3A_74 = arith.constant 0 : i32
      %dma_start3A_75 = tpu.memref_slice %arg21[%add3A_13, %dma_start3A_74] : memref<10240x16xf32, #tpu.memory_space<vmem_shared>> -> memref<128x16xf32, #tpu.memory_space<vmem_shared>>
      tpu.enqueue_dma source(%arg18 : memref<128x16xf32, #tpu.memory_space<vmem>>) target(%dma_start3A_75 : memref<128x16xf32, #tpu.memory_space<vmem_shared>>) target_semaphore(%run_scoped3A_72 : memref<!tpu.dma_semaphore, #tpu.memory_space<semaphore_mem>>)
      %dma_wait3A = arith.constant 0 : i32
      %dma_wait3A_76 = tpu.memref_slice %arg21[%add3A_13, %dma_wait3A] : memref<10240x16xf32, #tpu.memory_space<vmem_shared>> -> memref<128x16xf32, #tpu.memory_space<vmem_shared>>
      %dma_wait3A_77 = arith.constant 0 : i32
      %dma_wait3A_78 = tpu.memref_slice %arg21[%add3A_13, %dma_wait3A_77] : memref<10240x16xf32, #tpu.memory_space<vmem_shared>> -> memref<128x16xf32, #tpu.memory_space<vmem_shared>>
      tpu.wait_dma2 semaphore(%run_scoped3A_72 : memref<!tpu.dma_semaphore, #tpu.memory_space<semaphore_mem>>) src(%arg18 : memref<128x16xf32, #tpu.memory_space<vmem>>) dst(%dma_wait3A_78 : memref<128x16xf32, #tpu.memory_space<vmem_shared>>)
      tpu.yield
    }) : () -> ()
    %mul3A_14 = arith.constant 640 : i32
    %mul3A_15 = arith.muli %arg1, %mul3A_14 : i32
    %add3A_16 = arith.constant 512 : i32
    %add3A_17 = arith.addi %mul3A_15, %add3A_16 : i32
    "tpu.region"() ({
      %run_scoped3A_72 = tpu.sem_alloc : memref<!tpu.dma_semaphore, #tpu.memory_space<semaphore_mem>>
      %dma_start3A = arith.constant 0 : i32
      %dma_start3A_73 = tpu.memref_slice %arg20[%add3A_17, %dma_start3A] : memref<10240x64xf32, #tpu.memory_space<vmem_shared>> -> memref<128x64xf32, #tpu.memory_space<vmem_shared>>
      %dma_start3A_74 = arith.constant 0 : i32
      %dma_start3A_75 = tpu.memref_slice %arg20[%add3A_17, %dma_start3A_74] : memref<10240x64xf32, #tpu.memory_space<vmem_shared>> -> memref<128x64xf32, #tpu.memory_space<vmem_shared>>
      tpu.enqueue_dma source(%arg17 : memref<128x64xf32, #tpu.memory_space<vmem>>) target(%dma_start3A_75 : memref<128x64xf32, #tpu.memory_space<vmem_shared>>) target_semaphore(%run_scoped3A_72 : memref<!tpu.dma_semaphore, #tpu.memory_space<semaphore_mem>>)
      %dma_wait3A = arith.constant 0 : i32
      %dma_wait3A_76 = tpu.memref_slice %arg20[%add3A_17, %dma_wait3A] : memref<10240x64xf32, #tpu.memory_space<vmem_shared>> -> memref<128x64xf32, #tpu.memory_space<vmem_shared>>
      %dma_wait3A_77 = arith.constant 0 : i32
      %dma_wait3A_78 = tpu.memref_slice %arg20[%add3A_17, %dma_wait3A_77] : memref<10240x64xf32, #tpu.memory_space<vmem_shared>> -> memref<128x64xf32, #tpu.memory_space<vmem_shared>>
      tpu.wait_dma2 semaphore(%run_scoped3A_72 : memref<!tpu.dma_semaphore, #tpu.memory_space<semaphore_mem>>) src(%arg17 : memref<128x64xf32, #tpu.memory_space<vmem>>) dst(%dma_wait3A_78 : memref<128x64xf32, #tpu.memory_space<vmem_shared>>)
      tpu.yield
    }) : () -> ()
    "tpu.region"() ({
      %run_scoped3A_72 = tpu.sem_alloc : memref<!tpu.dma_semaphore, #tpu.memory_space<semaphore_mem>>
      %dma_start3A = arith.constant 0 : i32
      %dma_start3A_73 = tpu.memref_slice %arg21[%add3A_17, %dma_start3A] : memref<10240x16xf32, #tpu.memory_space<vmem_shared>> -> memref<128x16xf32, #tpu.memory_space<vmem_shared>>
      %dma_start3A_74 = arith.constant 0 : i32
      %dma_start3A_75 = tpu.memref_slice %arg21[%add3A_17, %dma_start3A_74] : memref<10240x16xf32, #tpu.memory_space<vmem_shared>> -> memref<128x16xf32, #tpu.memory_space<vmem_shared>>
      tpu.enqueue_dma source(%arg18 : memref<128x16xf32, #tpu.memory_space<vmem>>) target(%dma_start3A_75 : memref<128x16xf32, #tpu.memory_space<vmem_shared>>) target_semaphore(%run_scoped3A_72 : memref<!tpu.dma_semaphore, #tpu.memory_space<semaphore_mem>>)
      %dma_wait3A = arith.constant 0 : i32
      %dma_wait3A_76 = tpu.memref_slice %arg21[%add3A_17, %dma_wait3A] : memref<10240x16xf32, #tpu.memory_space<vmem_shared>> -> memref<128x16xf32, #tpu.memory_space<vmem_shared>>
      %dma_wait3A_77 = arith.constant 0 : i32
      %dma_wait3A_78 = tpu.memref_slice %arg21[%add3A_17, %dma_wait3A_77] : memref<10240x16xf32, #tpu.memory_space<vmem_shared>> -> memref<128x16xf32, #tpu.memory_space<vmem_shared>>
      tpu.wait_dma2 semaphore(%run_scoped3A_72 : memref<!tpu.dma_semaphore, #tpu.memory_space<semaphore_mem>>) src(%arg18 : memref<128x16xf32, #tpu.memory_space<vmem>>) dst(%dma_wait3A_78 : memref<128x16xf32, #tpu.memory_space<vmem_shared>>)
      tpu.yield
    }) : () -> ()
    %barrier3A = arith.constant 0 : index
    tpu.barrier barrier_id(%barrier3A)
    %lt3A = arith.constant 4 : i32
    %lt3A_18 = arith.cmpi slt, %arg1, %lt3A : i32
    %convert_element_type3A = arith.extui %lt3A_18 : i1 to i32
    %cond3A = arith.constant 0 : i32
    %cond3A_19 = arith.cmpi ne, %convert_element_type3A, %cond3A : i32
    scf.if %cond3A_19 {
      %mul3A_72 = arith.constant 157 : i32
      %mul3A_73 = arith.muli %arg1, %mul3A_72 : i32
      "tpu.region"() ({
        %run_scoped3A_76 = tpu.sem_alloc : memref<!tpu.dma_semaphore, #tpu.memory_space<semaphore_mem>>
        %dma_start3A = arith.constant 0 : i32
        %dma_start3A_77 = tpu.memref_slice %arg4[%mul3A_73, %dma_start3A] : memref<2500x128xi32, #tpu.memory_space<hbm>> -> memref<157x128xi32, #tpu.memory_space<hbm>>
        %dma_start3A_78 = arith.constant 0 : i32
        %dma_start3A_79 = tpu.memref_slice %arg4[%mul3A_73, %dma_start3A_78] : memref<2500x128xi32, #tpu.memory_space<hbm>> -> memref<157x128xi32, #tpu.memory_space<hbm>>
        tpu.enqueue_dma source(%dma_start3A_79 : memref<157x128xi32, #tpu.memory_space<hbm>>) target(%arg13 : memref<157x128xi32, #tpu.memory_space<vmem>>) target_semaphore(%run_scoped3A_76 : memref<!tpu.dma_semaphore, #tpu.memory_space<semaphore_mem>>)
        %dma_wait3A = arith.constant 0 : i32
        %dma_wait3A_80 = tpu.memref_slice %arg4[%mul3A_73, %dma_wait3A] : memref<2500x128xi32, #tpu.memory_space<hbm>> -> memref<157x128xi32, #tpu.memory_space<hbm>>
        %dma_wait3A_81 = arith.constant 0 : i32
        %dma_wait3A_82 = tpu.memref_slice %arg4[%mul3A_73, %dma_wait3A_81] : memref<2500x128xi32, #tpu.memory_space<hbm>> -> memref<157x128xi32, #tpu.memory_space<hbm>>
        tpu.wait_dma2 semaphore(%run_scoped3A_76 : memref<!tpu.dma_semaphore, #tpu.memory_space<semaphore_mem>>) src(%dma_wait3A_82 : memref<157x128xi32, #tpu.memory_space<hbm>>) dst(%arg13 : memref<157x128xi32, #tpu.memory_space<vmem>>)
        tpu.yield
      }) : () -> ()
      %mul3A_74 = arith.constant 157 : i32
      %mul3A_75 = arith.muli %arg1, %mul3A_74 : i32
      "tpu.region"() ({
        %run_scoped3A_76 = tpu.sem_alloc : memref<!tpu.dma_semaphore, #tpu.memory_space<semaphore_mem>>
        %dma_start3A = arith.constant 0 : i32
        %dma_start3A_77 = tpu.memref_slice %arg5[%mul3A_75, %dma_start3A] : memref<2500x128xi32, #tpu.memory_space<hbm>> -> memref<157x128xi32, #tpu.memory_space<hbm>>
        %dma_start3A_78 = arith.constant 0 : i32
        %dma_start3A_79 = tpu.memref_slice %arg5[%mul3A_75, %dma_start3A_78] : memref<2500x128xi32, #tpu.memory_space<hbm>> -> memref<157x128xi32, #tpu.memory_space<hbm>>
        tpu.enqueue_dma source(%dma_start3A_79 : memref<157x128xi32, #tpu.memory_space<hbm>>) target(%arg14 : memref<157x128xi32, #tpu.memory_space<vmem>>) target_semaphore(%run_scoped3A_76 : memref<!tpu.dma_semaphore, #tpu.memory_space<semaphore_mem>>)
        %dma_wait3A = arith.constant 0 : i32
        %dma_wait3A_80 = tpu.memref_slice %arg5[%mul3A_75, %dma_wait3A] : memref<2500x128xi32, #tpu.memory_space<hbm>> -> memref<157x128xi32, #tpu.memory_space<hbm>>
        %dma_wait3A_81 = arith.constant 0 : i32
        %dma_wait3A_82 = tpu.memref_slice %arg5[%mul3A_75, %dma_wait3A_81] : memref<2500x128xi32, #tpu.memory_space<hbm>> -> memref<157x128xi32, #tpu.memory_space<hbm>>
        tpu.wait_dma2 semaphore(%run_scoped3A_76 : memref<!tpu.dma_semaphore, #tpu.memory_space<semaphore_mem>>) src(%dma_wait3A_82 : memref<157x128xi32, #tpu.memory_space<hbm>>) dst(%arg14 : memref<157x128xi32, #tpu.memory_space<vmem>>)
        tpu.yield
      }) : () -> ()
    } else {
    }
    %ge3A = arith.constant 4 : i32
    %ge3A_20 = arith.cmpi sge, %arg1, %ge3A : i32
    %convert_element_type3A_21 = arith.extui %ge3A_20 : i1 to i32
    %cond3A_22 = arith.constant 0 : i32
    %cond3A_23 = arith.cmpi ne, %convert_element_type3A_21, %cond3A_22 : i32
    scf.if %cond3A_23 {
      %mul3A_72 = arith.constant 156 : i32
      %mul3A_73 = arith.muli %arg1, %mul3A_72 : i32
      %add3A_74 = arith.constant 4 : i32
      %add3A_75 = arith.addi %mul3A_73, %add3A_74 : i32
      "tpu.region"() ({
        %run_scoped3A_76 = tpu.sem_alloc : memref<!tpu.dma_semaphore, #tpu.memory_space<semaphore_mem>>
        %dma_start3A = arith.constant 0 : i32
        %dma_start3A_77 = arith.constant 0 : i32
        %dma_start3A_78 = tpu.memref_slice %arg13[%dma_start3A, %dma_start3A_77] : memref<157x128xi32, #tpu.memory_space<vmem>> -> memref<156x128xi32, #tpu.memory_space<vmem>>
        %dma_start3A_79 = arith.constant 0 : i32
        %dma_start3A_80 = tpu.memref_slice %arg4[%add3A_75, %dma_start3A_79] : memref<2500x128xi32, #tpu.memory_space<hbm>> -> memref<156x128xi32, #tpu.memory_space<hbm>>
        %dma_start3A_81 = arith.constant 0 : i32
        %dma_start3A_82 = arith.constant 0 : i32
        %dma_start3A_83 = tpu.memref_slice %arg13[%dma_start3A_81, %dma_start3A_82] : memref<157x128xi32, #tpu.memory_space<vmem>> -> memref<156x128xi32, #tpu.memory_space<vmem>>
        %dma_start3A_84 = arith.constant 0 : i32
        %dma_start3A_85 = tpu.memref_slice %arg4[%add3A_75, %dma_start3A_84] : memref<2500x128xi32, #tpu.memory_space<hbm>> -> memref<156x128xi32, #tpu.memory_space<hbm>>
        tpu.enqueue_dma source(%dma_start3A_85 : memref<156x128xi32, #tpu.memory_space<hbm>>) target(%dma_start3A_83 : memref<156x128xi32, #tpu.memory_space<vmem>>) target_semaphore(%run_scoped3A_76 : memref<!tpu.dma_semaphore, #tpu.memory_space<semaphore_mem>>)
        %dma_wait3A = arith.constant 0 : i32
        %dma_wait3A_86 = arith.constant 0 : i32
        %dma_wait3A_87 = tpu.memref_slice %arg13[%dma_wait3A, %dma_wait3A_86] : memref<157x128xi32, #tpu.memory_space<vmem>> -> memref<156x128xi32, #tpu.memory_space<vmem>>
        %dma_wait3A_88 = arith.constant 0 : i32
        %dma_wait3A_89 = tpu.memref_slice %arg4[%add3A_75, %dma_wait3A_88] : memref<2500x128xi32, #tpu.memory_space<hbm>> -> memref<156x128xi32, #tpu.memory_space<hbm>>
        %dma_wait3A_90 = arith.constant 0 : i32
        %dma_wait3A_91 = arith.constant 0 : i32
        %dma_wait3A_92 = tpu.memref_slice %arg13[%dma_wait3A_90, %dma_wait3A_91] : memref<157x128xi32, #tpu.memory_space<vmem>> -> memref<156x128xi32, #tpu.memory_space<vmem>>
        %dma_wait3A_93 = arith.constant 0 : i32
        %dma_wait3A_94 = tpu.memref_slice %arg4[%add3A_75, %dma_wait3A_93] : memref<2500x128xi32, #tpu.memory_space<hbm>> -> memref<156x128xi32, #tpu.memory_space<hbm>>
        tpu.wait_dma2 semaphore(%run_scoped3A_76 : memref<!tpu.dma_semaphore, #tpu.memory_space<semaphore_mem>>) src(%dma_wait3A_94 : memref<156x128xi32, #tpu.memory_space<hbm>>) dst(%dma_wait3A_92 : memref<156x128xi32, #tpu.memory_space<vmem>>)
        tpu.yield
      }) : () -> ()
      "tpu.region"() ({
        %run_scoped3A_76 = tpu.sem_alloc : memref<!tpu.dma_semaphore, #tpu.memory_space<semaphore_mem>>
        %dma_start3A = arith.constant 0 : i32
        %dma_start3A_77 = arith.constant 0 : i32
        %dma_start3A_78 = tpu.memref_slice %arg14[%dma_start3A, %dma_start3A_77] : memref<157x128xi32, #tpu.memory_space<vmem>> -> memref<156x128xi32, #tpu.memory_space<vmem>>
        %dma_start3A_79 = arith.constant 0 : i32
        %dma_start3A_80 = tpu.memref_slice %arg5[%add3A_75, %dma_start3A_79] : memref<2500x128xi32, #tpu.memory_space<hbm>> -> memref<156x128xi32, #tpu.memory_space<hbm>>
        %dma_start3A_81 = arith.constant 0 : i32
        %dma_start3A_82 = arith.constant 0 : i32
        %dma_start3A_83 = tpu.memref_slice %arg14[%dma_start3A_81, %dma_start3A_82] : memref<157x128xi32, #tpu.memory_space<vmem>> -> memref<156x128xi32, #tpu.memory_space<vmem>>
        %dma_start3A_84 = arith.constant 0 : i32
        %dma_start3A_85 = tpu.memref_slice %arg5[%add3A_75, %dma_start3A_84] : memref<2500x128xi32, #tpu.memory_space<hbm>> -> memref<156x128xi32, #tpu.memory_space<hbm>>
        tpu.enqueue_dma source(%dma_start3A_85 : memref<156x128xi32, #tpu.memory_space<hbm>>) target(%dma_start3A_83 : memref<156x128xi32, #tpu.memory_space<vmem>>) target_semaphore(%run_scoped3A_76 : memref<!tpu.dma_semaphore, #tpu.memory_space<semaphore_mem>>)
        %dma_wait3A = arith.constant 0 : i32
        %dma_wait3A_86 = arith.constant 0 : i32
        %dma_wait3A_87 = tpu.memref_slice %arg14[%dma_wait3A, %dma_wait3A_86] : memref<157x128xi32, #tpu.memory_space<vmem>> -> memref<156x128xi32, #tpu.memory_space<vmem>>
        %dma_wait3A_88 = arith.constant 0 : i32
        %dma_wait3A_89 = tpu.memref_slice %arg5[%add3A_75, %dma_wait3A_88] : memref<2500x128xi32, #tpu.memory_space<hbm>> -> memref<156x128xi32, #tpu.memory_space<hbm>>
        %dma_wait3A_90 = arith.constant 0 : i32
        %dma_wait3A_91 = arith.constant 0 : i32
        %dma_wait3A_92 = tpu.memref_slice %arg14[%dma_wait3A_90, %dma_wait3A_91] : memref<157x128xi32, #tpu.memory_space<vmem>> -> memref<156x128xi32, #tpu.memory_space<vmem>>
        %dma_wait3A_93 = arith.constant 0 : i32
        %dma_wait3A_94 = tpu.memref_slice %arg5[%add3A_75, %dma_wait3A_93] : memref<2500x128xi32, #tpu.memory_space<hbm>> -> memref<156x128xi32, #tpu.memory_space<hbm>>
        tpu.wait_dma2 semaphore(%run_scoped3A_76 : memref<!tpu.dma_semaphore, #tpu.memory_space<semaphore_mem>>) src(%dma_wait3A_94 : memref<156x128xi32, #tpu.memory_space<hbm>>) dst(%dma_wait3A_92 : memref<156x128xi32, #tpu.memory_space<vmem>>)
        tpu.yield
      }) : () -> ()
      "tpu.region"() ({
        %run_scoped3A_76 = tpu.sem_alloc : memref<!tpu.dma_semaphore, #tpu.memory_space<semaphore_mem>>
        %dma_start3A = arith.constant 156 : i32
        %dma_start3A_77 = arith.constant 0 : i32
        %dma_start3A_78 = tpu.memref_slice %arg13[%dma_start3A, %dma_start3A_77] : memref<157x128xi32, #tpu.memory_space<vmem>> -> memref<1x128xi32, #tpu.memory_space<vmem>>
        %dma_start3A_79 = arith.constant 156 : i32
        %dma_start3A_80 = arith.constant 0 : i32
        %dma_start3A_81 = tpu.memref_slice %arg13[%dma_start3A_79, %dma_start3A_80] : memref<157x128xi32, #tpu.memory_space<vmem>> -> memref<1x128xi32, #tpu.memory_space<vmem>>
        tpu.enqueue_dma source(%arg9 : memref<1x128xi32, #tpu.memory_space<hbm>>) target(%dma_start3A_81 : memref<1x128xi32, #tpu.memory_space<vmem>>) target_semaphore(%run_scoped3A_76 : memref<!tpu.dma_semaphore, #tpu.memory_space<semaphore_mem>>)
        %dma_wait3A = arith.constant 156 : i32
        %dma_wait3A_82 = arith.constant 0 : i32
        %dma_wait3A_83 = tpu.memref_slice %arg13[%dma_wait3A, %dma_wait3A_82] : memref<157x128xi32, #tpu.memory_space<vmem>> -> memref<1x128xi32, #tpu.memory_space<vmem>>
        %dma_wait3A_84 = arith.constant 156 : i32
        %dma_wait3A_85 = arith.constant 0 : i32
        %dma_wait3A_86 = tpu.memref_slice %arg13[%dma_wait3A_84, %dma_wait3A_85] : memref<157x128xi32, #tpu.memory_space<vmem>> -> memref<1x128xi32, #tpu.memory_space<vmem>>
        tpu.wait_dma2 semaphore(%run_scoped3A_76 : memref<!tpu.dma_semaphore, #tpu.memory_space<semaphore_mem>>) src(%arg9 : memref<1x128xi32, #tpu.memory_space<hbm>>) dst(%dma_wait3A_86 : memref<1x128xi32, #tpu.memory_space<vmem>>)
        tpu.yield
      }) : () -> ()
      "tpu.region"() ({
        %run_scoped3A_76 = tpu.sem_alloc : memref<!tpu.dma_semaphore, #tpu.memory_space<semaphore_mem>>
        %dma_start3A = arith.constant 156 : i32
        %dma_start3A_77 = arith.constant 0 : i32
        %dma_start3A_78 = tpu.memref_slice %arg14[%dma_start3A, %dma_start3A_77] : memref<157x128xi32, #tpu.memory_space<vmem>> -> memref<1x128xi32, #tpu.memory_space<vmem>>
        %dma_start3A_79 = arith.constant 156 : i32
        %dma_start3A_80 = arith.constant 0 : i32
        %dma_start3A_81 = tpu.memref_slice %arg14[%dma_start3A_79, %dma_start3A_80] : memref<157x128xi32, #tpu.memory_space<vmem>> -> memref<1x128xi32, #tpu.memory_space<vmem>>
        tpu.enqueue_dma source(%arg10 : memref<1x128xi32, #tpu.memory_space<hbm>>) target(%dma_start3A_81 : memref<1x128xi32, #tpu.memory_space<vmem>>) target_semaphore(%run_scoped3A_76 : memref<!tpu.dma_semaphore, #tpu.memory_space<semaphore_mem>>)
        %dma_wait3A = arith.constant 156 : i32
        %dma_wait3A_82 = arith.constant 0 : i32
        %dma_wait3A_83 = tpu.memref_slice %arg14[%dma_wait3A, %dma_wait3A_82] : memref<157x128xi32, #tpu.memory_space<vmem>> -> memref<1x128xi32, #tpu.memory_space<vmem>>
        %dma_wait3A_84 = arith.constant 156 : i32
        %dma_wait3A_85 = arith.constant 0 : i32
        %dma_wait3A_86 = tpu.memref_slice %arg14[%dma_wait3A_84, %dma_wait3A_85] : memref<157x128xi32, #tpu.memory_space<vmem>> -> memref<1x128xi32, #tpu.memory_space<vmem>>
        tpu.wait_dma2 semaphore(%run_scoped3A_76 : memref<!tpu.dma_semaphore, #tpu.memory_space<semaphore_mem>>) src(%arg10 : memref<1x128xi32, #tpu.memory_space<hbm>>) dst(%dma_wait3A_86 : memref<1x128xi32, #tpu.memory_space<vmem>>)
        tpu.yield
      }) : () -> ()
    } else {
    }
    %eq3A = arith.constant 0 : i32
    %eq3A_24 = arith.cmpi eq, %arg0, %eq3A : i32
    %convert_element_type3A_25 = arith.extui %eq3A_24 : i1 to i32
    %cond3A_26 = arith.constant 0 : i32
    %cond3A_27 = arith.cmpi ne, %convert_element_type3A_25, %cond3A_26 : i32
    scf.if %cond3A_27 {
      %dma_start3A = arith.constant 0 : i32
      %dma_start3A_72 = arith.constant 0 : i32
      %dma_start3A_73 = tpu.memref_slice %arg13[%dma_start3A, %dma_start3A_72] : memref<157x128xi32, #tpu.memory_space<vmem>> -> memref<1x128xi32, #tpu.memory_space<vmem>>
      %dma_start3A_74 = tpu.memref_squeeze %dma_start3A_73 : memref<1x128xi32, #tpu.memory_space<vmem>> -> memref<128xi32, #tpu.memory_space<vmem>>
      %dma_start3A_75 = arith.constant 0 : i32
      %dma_start3A_76 = arith.constant 0 : i32
      %dma_start3A_77 = tpu.memref_slice %arg2[%dma_start3A_75, %dma_start3A_76] : memref<80000x64xf32, #tpu.memory_space<hbm>> -> memref<80000x64xf32, #tpu.memory_space<hbm>>
      tpu.enqueue_indirect_dma source(%dma_start3A_77 : memref<80000x64xf32, #tpu.memory_space<hbm>>) target(%arg15 : memref<128x64xf32, #tpu.memory_space<vmem>>) offsets(%dma_start3A_74 : memref<128xi32, #tpu.memory_space<vmem>>) semaphore(%arg22 : memref<!tpu.dma_semaphore, #tpu.memory_space<semaphore_mem>>)
    } else {
    }
    %eq3A_28 = arith.constant 1 : i32
    %eq3A_29 = arith.cmpi eq, %arg0, %eq3A_28 : i32
    %convert_element_type3A_30 = arith.extui %eq3A_29 : i1 to i32
    %cond3A_31 = arith.constant 0 : i32
    %cond3A_32 = arith.cmpi ne, %convert_element_type3A_30, %cond3A_31 : i32
    scf.if %cond3A_32 {
      %dma_start3A = arith.constant 0 : i32
      %dma_start3A_72 = arith.constant 0 : i32
      %dma_start3A_73 = tpu.memref_slice %arg13[%dma_start3A, %dma_start3A_72] : memref<157x128xi32, #tpu.memory_space<vmem>> -> memref<1x128xi32, #tpu.memory_space<vmem>>
      %dma_start3A_74 = tpu.memref_squeeze %dma_start3A_73 : memref<1x128xi32, #tpu.memory_space<vmem>> -> memref<128xi32, #tpu.memory_space<vmem>>
      %dma_start3A_75 = arith.constant 0 : i32
      %dma_start3A_76 = arith.constant 0 : i32
      %dma_start3A_77 = tpu.memref_slice %arg3[%dma_start3A_75, %dma_start3A_76] : memref<80000x64xf32, #tpu.memory_space<hbm>> -> memref<80000x64xf32, #tpu.memory_space<hbm>>
      tpu.enqueue_indirect_dma source(%dma_start3A_77 : memref<80000x64xf32, #tpu.memory_space<hbm>>) target(%arg15 : memref<128x64xf32, #tpu.memory_space<vmem>>) offsets(%dma_start3A_74 : memref<128xi32, #tpu.memory_space<vmem>>) semaphore(%arg22 : memref<!tpu.dma_semaphore, #tpu.memory_space<semaphore_mem>>)
    } else {
    }
    %scan3A = arith.constant 0 : i32
    %scan3A_33 = arith.constant 0 : i32
    %scan3A_34 = arith.constant 78 : i32
    %scan3A_35 = arith.addi %scan3A_33, %scan3A_34 : i32
    %scan3A_36 = arith.constant 1 : i32
    scf.for %scan3A_72 = %scan3A_33 to %scan3A_35 step %scan3A_36  : i32 {
      %mul3A_73 = arith.constant 2 : i32
      %mul3A_74 = arith.muli %mul3A_73, %scan3A_72 : i32
      %eq3A_75 = arith.constant 0 : i32
      %eq3A_76 = arith.cmpi eq, %arg0, %eq3A_75 : i32
      %convert_element_type3A_77 = arith.extui %eq3A_76 : i1 to i32
      %cond3A_78 = arith.constant 0 : i32
      %cond3A_79 = arith.cmpi ne, %convert_element_type3A_77, %cond3A_78 : i32
      scf.if %cond3A_79 {
        %dma_wait3A = arith.constant 0 : i32
        %dma_wait3A_143 = tpu.memref_slice %arg13[%mul3A_74, %dma_wait3A] : memref<157x128xi32, #tpu.memory_space<vmem>> -> memref<1x128xi32, #tpu.memory_space<vmem>>
        %dma_wait3A_144 = tpu.memref_squeeze %dma_wait3A_143 : memref<1x128xi32, #tpu.memory_space<vmem>> -> memref<128xi32, #tpu.memory_space<vmem>>
        %dma_wait3A_145 = arith.constant 0 : i32
        %dma_wait3A_146 = arith.constant 0 : i32
        %dma_wait3A_147 = tpu.memref_slice %arg2[%dma_wait3A_145, %dma_wait3A_146] : memref<80000x64xf32, #tpu.memory_space<hbm>> -> memref<80000x64xf32, #tpu.memory_space<hbm>>
        tpu.wait_indirect_dma semaphore(%arg22 : memref<!tpu.dma_semaphore, #tpu.memory_space<semaphore_mem>>) src(%dma_wait3A_147 : memref<80000x64xf32, #tpu.memory_space<hbm>>) dst(%arg15 : memref<128x64xf32, #tpu.memory_space<vmem>>)
      } else {
      }
      %eq3A_80 = arith.constant 1 : i32
      %eq3A_81 = arith.cmpi eq, %arg0, %eq3A_80 : i32
      %convert_element_type3A_82 = arith.extui %eq3A_81 : i1 to i32
      %cond3A_83 = arith.constant 0 : i32
      %cond3A_84 = arith.cmpi ne, %convert_element_type3A_82, %cond3A_83 : i32
      scf.if %cond3A_84 {
        %dma_wait3A = arith.constant 0 : i32
        %dma_wait3A_143 = tpu.memref_slice %arg13[%mul3A_74, %dma_wait3A] : memref<157x128xi32, #tpu.memory_space<vmem>> -> memref<1x128xi32, #tpu.memory_space<vmem>>
        %dma_wait3A_144 = tpu.memref_squeeze %dma_wait3A_143 : memref<1x128xi32, #tpu.memory_space<vmem>> -> memref<128xi32, #tpu.memory_space<vmem>>
        %dma_wait3A_145 = arith.constant 0 : i32
        %dma_wait3A_146 = arith.constant 0 : i32
        %dma_wait3A_147 = tpu.memref_slice %arg3[%dma_wait3A_145, %dma_wait3A_146] : memref<80000x64xf32, #tpu.memory_space<hbm>> -> memref<80000x64xf32, #tpu.memory_space<hbm>>
        tpu.wait_indirect_dma semaphore(%arg22 : memref<!tpu.dma_semaphore, #tpu.memory_space<semaphore_mem>>) src(%dma_wait3A_147 : memref<80000x64xf32, #tpu.memory_space<hbm>>) dst(%arg15 : memref<128x64xf32, #tpu.memory_space<vmem>>)
      } else {
      }
      %add3A_85 = arith.constant 1 : i32
      %add3A_86 = arith.addi %mul3A_74, %add3A_85 : i32
      %eq3A_87 = arith.constant 0 : i32
      %eq3A_88 = arith.cmpi eq, %arg0, %eq3A_87 : i32
      %convert_element_type3A_89 = arith.extui %eq3A_88 : i1 to i32
      %cond3A_90 = arith.constant 0 : i32
      %cond3A_91 = arith.cmpi ne, %convert_element_type3A_89, %cond3A_90 : i32
      scf.if %cond3A_91 {
        %dma_start3A = arith.constant 0 : i32
        %dma_start3A_143 = tpu.memref_slice %arg13[%add3A_86, %dma_start3A] : memref<157x128xi32, #tpu.memory_space<vmem>> -> memref<1x128xi32, #tpu.memory_space<vmem>>
        %dma_start3A_144 = tpu.memref_squeeze %dma_start3A_143 : memref<1x128xi32, #tpu.memory_space<vmem>> -> memref<128xi32, #tpu.memory_space<vmem>>
        %dma_start3A_145 = arith.constant 0 : i32
        %dma_start3A_146 = arith.constant 0 : i32
        %dma_start3A_147 = tpu.memref_slice %arg2[%dma_start3A_145, %dma_start3A_146] : memref<80000x64xf32, #tpu.memory_space<hbm>> -> memref<80000x64xf32, #tpu.memory_space<hbm>>
        tpu.enqueue_indirect_dma source(%dma_start3A_147 : memref<80000x64xf32, #tpu.memory_space<hbm>>) target(%arg16 : memref<128x64xf32, #tpu.memory_space<vmem>>) offsets(%dma_start3A_144 : memref<128xi32, #tpu.memory_space<vmem>>) semaphore(%arg23 : memref<!tpu.dma_semaphore, #tpu.memory_space<semaphore_mem>>)
      } else {
      }
      %eq3A_92 = arith.constant 1 : i32
      %eq3A_93 = arith.cmpi eq, %arg0, %eq3A_92 : i32
      %convert_element_type3A_94 = arith.extui %eq3A_93 : i1 to i32
      %cond3A_95 = arith.constant 0 : i32
      %cond3A_96 = arith.cmpi ne, %convert_element_type3A_94, %cond3A_95 : i32
      scf.if %cond3A_96 {
        %dma_start3A = arith.constant 0 : i32
        %dma_start3A_143 = tpu.memref_slice %arg13[%add3A_86, %dma_start3A] : memref<157x128xi32, #tpu.memory_space<vmem>> -> memref<1x128xi32, #tpu.memory_space<vmem>>
        %dma_start3A_144 = tpu.memref_squeeze %dma_start3A_143 : memref<1x128xi32, #tpu.memory_space<vmem>> -> memref<128xi32, #tpu.memory_space<vmem>>
        %dma_start3A_145 = arith.constant 0 : i32
        %dma_start3A_146 = arith.constant 0 : i32
        %dma_start3A_147 = tpu.memref_slice %arg3[%dma_start3A_145, %dma_start3A_146] : memref<80000x64xf32, #tpu.memory_space<hbm>> -> memref<80000x64xf32, #tpu.memory_space<hbm>>
        tpu.enqueue_indirect_dma source(%dma_start3A_147 : memref<80000x64xf32, #tpu.memory_space<hbm>>) target(%arg16 : memref<128x64xf32, #tpu.memory_space<vmem>>) offsets(%dma_start3A_144 : memref<128xi32, #tpu.memory_space<vmem>>) semaphore(%arg23 : memref<!tpu.dma_semaphore, #tpu.memory_space<semaphore_mem>>)
      } else {
      }
      "tpu.region"() ({
        %run_scoped3A_143 = tpu.sem_alloc : memref<!tpu.dma_semaphore, #tpu.memory_space<semaphore_mem>>
        %dma_start3A = arith.constant 0 : i32
        %dma_start3A_144 = tpu.memref_slice %arg14[%mul3A_74, %dma_start3A] : memref<157x128xi32, #tpu.memory_space<vmem>> -> memref<1x128xi32, #tpu.memory_space<vmem>>
        %dma_start3A_145 = tpu.memref_squeeze %dma_start3A_144 : memref<1x128xi32, #tpu.memory_space<vmem>> -> memref<128xi32, #tpu.memory_space<vmem>>
        %dma_start3A_146 = arith.constant 0 : i32
        %dma_start3A_147 = arith.constant 0 : i32
        %dma_start3A_148 = tpu.memref_slice %arg20[%dma_start3A_146, %dma_start3A_147] : memref<10240x64xf32, #tpu.memory_space<vmem_shared>> -> memref<10240x64xf32, #tpu.memory_space<vmem_shared>>
        tpu.enqueue_indirect_dma source(%arg15 : memref<128x64xf32, #tpu.memory_space<vmem>>) target(%dma_start3A_148 : memref<10240x64xf32, #tpu.memory_space<vmem_shared>>) offsets(%dma_start3A_145 : memref<128xi32, #tpu.memory_space<vmem>>) semaphore(%run_scoped3A_143 : memref<!tpu.dma_semaphore, #tpu.memory_space<semaphore_mem>>) {add = true}
        %dma_wait3A = arith.constant 0 : i32
        %dma_wait3A_149 = tpu.memref_slice %arg14[%mul3A_74, %dma_wait3A] : memref<157x128xi32, #tpu.memory_space<vmem>> -> memref<1x128xi32, #tpu.memory_space<vmem>>
        %dma_wait3A_150 = tpu.memref_squeeze %dma_wait3A_149 : memref<1x128xi32, #tpu.memory_space<vmem>> -> memref<128xi32, #tpu.memory_space<vmem>>
        %dma_wait3A_151 = arith.constant 0 : i32
        %dma_wait3A_152 = arith.constant 0 : i32
        %dma_wait3A_153 = tpu.memref_slice %arg20[%dma_wait3A_151, %dma_wait3A_152] : memref<10240x64xf32, #tpu.memory_space<vmem_shared>> -> memref<10240x64xf32, #tpu.memory_space<vmem_shared>>
        tpu.wait_indirect_dma semaphore(%run_scoped3A_143 : memref<!tpu.dma_semaphore, #tpu.memory_space<semaphore_mem>>) src(%arg15 : memref<128x64xf32, #tpu.memory_space<vmem>>) dst(%dma_wait3A_153 : memref<10240x64xf32, #tpu.memory_space<vmem_shared>>)
        tpu.yield
      }) : () -> ()
      %lt3A_97 = arith.constant 78 : i32
      %lt3A_98 = arith.cmpi slt, %mul3A_74, %lt3A_97 : i32
      %eq3A_99 = arith.constant 0 : i32
      %eq3A_100 = arith.cmpi eq, %arg0, %eq3A_99 : i32
      %eq3A_101 = arith.xori %lt3A_98, %eq3A_100 : i1
      %eq3A_102 = arith.constant true
      %eq3A_103 = arith.xori %eq3A_101, %eq3A_102 : i1
      %convert_element_type3A_104 = arith.extui %eq3A_103 : i1 to i32
      %cond3A_105 = arith.constant 0 : i32
      %cond3A_106 = arith.cmpi ne, %convert_element_type3A_104, %cond3A_105 : i32
      scf.if %cond3A_106 {
        "tpu.region"() ({
          %run_scoped3A_143 = tpu.sem_alloc : memref<!tpu.dma_semaphore, #tpu.memory_space<semaphore_mem>>
          %dma_start3A = arith.constant 0 : i32
          %dma_start3A_144 = tpu.memref_slice %arg14[%mul3A_74, %dma_start3A] : memref<157x128xi32, #tpu.memory_space<vmem>> -> memref<1x128xi32, #tpu.memory_space<vmem>>
          %dma_start3A_145 = tpu.memref_squeeze %dma_start3A_144 : memref<1x128xi32, #tpu.memory_space<vmem>> -> memref<128xi32, #tpu.memory_space<vmem>>
          %dma_start3A_146 = arith.constant 0 : i32
          %dma_start3A_147 = arith.constant 0 : i32
          %dma_start3A_148 = tpu.memref_slice %arg21[%dma_start3A_146, %dma_start3A_147] : memref<10240x16xf32, #tpu.memory_space<vmem_shared>> -> memref<10240x16xf32, #tpu.memory_space<vmem_shared>>
          tpu.enqueue_indirect_dma source(%arg19 : memref<128x16xf32, #tpu.memory_space<vmem>>) target(%dma_start3A_148 : memref<10240x16xf32, #tpu.memory_space<vmem_shared>>) offsets(%dma_start3A_145 : memref<128xi32, #tpu.memory_space<vmem>>) semaphore(%run_scoped3A_143 : memref<!tpu.dma_semaphore, #tpu.memory_space<semaphore_mem>>) {add = true}
          %dma_wait3A = arith.constant 0 : i32
          %dma_wait3A_149 = tpu.memref_slice %arg14[%mul3A_74, %dma_wait3A] : memref<157x128xi32, #tpu.memory_space<vmem>> -> memref<1x128xi32, #tpu.memory_space<vmem>>
          %dma_wait3A_150 = tpu.memref_squeeze %dma_wait3A_149 : memref<1x128xi32, #tpu.memory_space<vmem>> -> memref<128xi32, #tpu.memory_space<vmem>>
          %dma_wait3A_151 = arith.constant 0 : i32
          %dma_wait3A_152 = arith.constant 0 : i32
          %dma_wait3A_153 = tpu.memref_slice %arg21[%dma_wait3A_151, %dma_wait3A_152] : memref<10240x16xf32, #tpu.memory_space<vmem_shared>> -> memref<10240x16xf32, #tpu.memory_space<vmem_shared>>
          tpu.wait_indirect_dma semaphore(%run_scoped3A_143 : memref<!tpu.dma_semaphore, #tpu.memory_space<semaphore_mem>>) src(%arg19 : memref<128x16xf32, #tpu.memory_space<vmem>>) dst(%dma_wait3A_153 : memref<10240x16xf32, #tpu.memory_space<vmem_shared>>)
          tpu.yield
        }) : () -> ()
      } else {
      }
      %add3A_107 = arith.constant 1 : i32
      %add3A_108 = arith.addi %mul3A_74, %add3A_107 : i32
      %eq3A_109 = arith.constant 0 : i32
      %eq3A_110 = arith.cmpi eq, %arg0, %eq3A_109 : i32
      %convert_element_type3A_111 = arith.extui %eq3A_110 : i1 to i32
      %cond3A_112 = arith.constant 0 : i32
      %cond3A_113 = arith.cmpi ne, %convert_element_type3A_111, %cond3A_112 : i32
      scf.if %cond3A_113 {
        %dma_wait3A = arith.constant 0 : i32
        %dma_wait3A_143 = tpu.memref_slice %arg13[%add3A_108, %dma_wait3A] : memref<157x128xi32, #tpu.memory_space<vmem>> -> memref<1x128xi32, #tpu.memory_space<vmem>>
        %dma_wait3A_144 = tpu.memref_squeeze %dma_wait3A_143 : memref<1x128xi32, #tpu.memory_space<vmem>> -> memref<128xi32, #tpu.memory_space<vmem>>
        %dma_wait3A_145 = arith.constant 0 : i32
        %dma_wait3A_146 = arith.constant 0 : i32
        %dma_wait3A_147 = tpu.memref_slice %arg2[%dma_wait3A_145, %dma_wait3A_146] : memref<80000x64xf32, #tpu.memory_space<hbm>> -> memref<80000x64xf32, #tpu.memory_space<hbm>>
        tpu.wait_indirect_dma semaphore(%arg23 : memref<!tpu.dma_semaphore, #tpu.memory_space<semaphore_mem>>) src(%dma_wait3A_147 : memref<80000x64xf32, #tpu.memory_space<hbm>>) dst(%arg16 : memref<128x64xf32, #tpu.memory_space<vmem>>)
      } else {
      }
      %eq3A_114 = arith.constant 1 : i32
      %eq3A_115 = arith.cmpi eq, %arg0, %eq3A_114 : i32
      %convert_element_type3A_116 = arith.extui %eq3A_115 : i1 to i32
      %cond3A_117 = arith.constant 0 : i32
      %cond3A_118 = arith.cmpi ne, %convert_element_type3A_116, %cond3A_117 : i32
      scf.if %cond3A_118 {
        %dma_wait3A = arith.constant 0 : i32
        %dma_wait3A_143 = tpu.memref_slice %arg13[%add3A_108, %dma_wait3A] : memref<157x128xi32, #tpu.memory_space<vmem>> -> memref<1x128xi32, #tpu.memory_space<vmem>>
        %dma_wait3A_144 = tpu.memref_squeeze %dma_wait3A_143 : memref<1x128xi32, #tpu.memory_space<vmem>> -> memref<128xi32, #tpu.memory_space<vmem>>
        %dma_wait3A_145 = arith.constant 0 : i32
        %dma_wait3A_146 = arith.constant 0 : i32
        %dma_wait3A_147 = tpu.memref_slice %arg3[%dma_wait3A_145, %dma_wait3A_146] : memref<80000x64xf32, #tpu.memory_space<hbm>> -> memref<80000x64xf32, #tpu.memory_space<hbm>>
        tpu.wait_indirect_dma semaphore(%arg23 : memref<!tpu.dma_semaphore, #tpu.memory_space<semaphore_mem>>) src(%dma_wait3A_147 : memref<80000x64xf32, #tpu.memory_space<hbm>>) dst(%arg16 : memref<128x64xf32, #tpu.memory_space<vmem>>)
      } else {
      }
      %add3A_119 = arith.constant 2 : i32
      %add3A_120 = arith.addi %mul3A_74, %add3A_119 : i32
      %eq3A_121 = arith.constant 0 : i32
      %eq3A_122 = arith.cmpi eq, %arg0, %eq3A_121 : i32
      %convert_element_type3A_123 = arith.extui %eq3A_122 : i1 to i32
      %cond3A_124 = arith.constant 0 : i32
      %cond3A_125 = arith.cmpi ne, %convert_element_type3A_123, %cond3A_124 : i32
      scf.if %cond3A_125 {
        %dma_start3A = arith.constant 0 : i32
        %dma_start3A_143 = tpu.memref_slice %arg13[%add3A_120, %dma_start3A] : memref<157x128xi32, #tpu.memory_space<vmem>> -> memref<1x128xi32, #tpu.memory_space<vmem>>
        %dma_start3A_144 = tpu.memref_squeeze %dma_start3A_143 : memref<1x128xi32, #tpu.memory_space<vmem>> -> memref<128xi32, #tpu.memory_space<vmem>>
        %dma_start3A_145 = arith.constant 0 : i32
        %dma_start3A_146 = arith.constant 0 : i32
        %dma_start3A_147 = tpu.memref_slice %arg2[%dma_start3A_145, %dma_start3A_146] : memref<80000x64xf32, #tpu.memory_space<hbm>> -> memref<80000x64xf32, #tpu.memory_space<hbm>>
        tpu.enqueue_indirect_dma source(%dma_start3A_147 : memref<80000x64xf32, #tpu.memory_space<hbm>>) target(%arg15 : memref<128x64xf32, #tpu.memory_space<vmem>>) offsets(%dma_start3A_144 : memref<128xi32, #tpu.memory_space<vmem>>) semaphore(%arg22 : memref<!tpu.dma_semaphore, #tpu.memory_space<semaphore_mem>>)
      } else {
      }
      %eq3A_126 = arith.constant 1 : i32
      %eq3A_127 = arith.cmpi eq, %arg0, %eq3A_126 : i32
      %convert_element_type3A_128 = arith.extui %eq3A_127 : i1 to i32
      %cond3A_129 = arith.constant 0 : i32
      %cond3A_130 = arith.cmpi ne, %convert_element_type3A_128, %cond3A_129 : i32
      scf.if %cond3A_130 {
        %dma_start3A = arith.constant 0 : i32
        %dma_start3A_143 = tpu.memref_slice %arg13[%add3A_120, %dma_start3A] : memref<157x128xi32, #tpu.memory_space<vmem>> -> memref<1x128xi32, #tpu.memory_space<vmem>>
        %dma_start3A_144 = tpu.memref_squeeze %dma_start3A_143 : memref<1x128xi32, #tpu.memory_space<vmem>> -> memref<128xi32, #tpu.memory_space<vmem>>
        %dma_start3A_145 = arith.constant 0 : i32
        %dma_start3A_146 = arith.constant 0 : i32
        %dma_start3A_147 = tpu.memref_slice %arg3[%dma_start3A_145, %dma_start3A_146] : memref<80000x64xf32, #tpu.memory_space<hbm>> -> memref<80000x64xf32, #tpu.memory_space<hbm>>
        tpu.enqueue_indirect_dma source(%dma_start3A_147 : memref<80000x64xf32, #tpu.memory_space<hbm>>) target(%arg15 : memref<128x64xf32, #tpu.memory_space<vmem>>) offsets(%dma_start3A_144 : memref<128xi32, #tpu.memory_space<vmem>>) semaphore(%arg22 : memref<!tpu.dma_semaphore, #tpu.memory_space<semaphore_mem>>)
      } else {
      }
      %add3A_131 = arith.constant 1 : i32
      %add3A_132 = arith.addi %mul3A_74, %add3A_131 : i32
      "tpu.region"() ({
        %run_scoped3A_143 = tpu.sem_alloc : memref<!tpu.dma_semaphore, #tpu.memory_space<semaphore_mem>>
        %dma_start3A = arith.constant 0 : i32
        %dma_start3A_144 = tpu.memref_slice %arg14[%add3A_132, %dma_start3A] : memref<157x128xi32, #tpu.memory_space<vmem>> -> memref<1x128xi32, #tpu.memory_space<vmem>>
        %dma_start3A_145 = tpu.memref_squeeze %dma_start3A_144 : memref<1x128xi32, #tpu.memory_space<vmem>> -> memref<128xi32, #tpu.memory_space<vmem>>
        %dma_start3A_146 = arith.constant 0 : i32
        %dma_start3A_147 = arith.constant 0 : i32
        %dma_start3A_148 = tpu.memref_slice %arg20[%dma_start3A_146, %dma_start3A_147] : memref<10240x64xf32, #tpu.memory_space<vmem_shared>> -> memref<10240x64xf32, #tpu.memory_space<vmem_shared>>
        tpu.enqueue_indirect_dma source(%arg16 : memref<128x64xf32, #tpu.memory_space<vmem>>) target(%dma_start3A_148 : memref<10240x64xf32, #tpu.memory_space<vmem_shared>>) offsets(%dma_start3A_145 : memref<128xi32, #tpu.memory_space<vmem>>) semaphore(%run_scoped3A_143 : memref<!tpu.dma_semaphore, #tpu.memory_space<semaphore_mem>>) {add = true}
        %dma_wait3A = arith.constant 0 : i32
        %dma_wait3A_149 = tpu.memref_slice %arg14[%add3A_132, %dma_wait3A] : memref<157x128xi32, #tpu.memory_space<vmem>> -> memref<1x128xi32, #tpu.memory_space<vmem>>
        %dma_wait3A_150 = tpu.memref_squeeze %dma_wait3A_149 : memref<1x128xi32, #tpu.memory_space<vmem>> -> memref<128xi32, #tpu.memory_space<vmem>>
        %dma_wait3A_151 = arith.constant 0 : i32
        %dma_wait3A_152 = arith.constant 0 : i32
        %dma_wait3A_153 = tpu.memref_slice %arg20[%dma_wait3A_151, %dma_wait3A_152] : memref<10240x64xf32, #tpu.memory_space<vmem_shared>> -> memref<10240x64xf32, #tpu.memory_space<vmem_shared>>
        tpu.wait_indirect_dma semaphore(%run_scoped3A_143 : memref<!tpu.dma_semaphore, #tpu.memory_space<semaphore_mem>>) src(%arg16 : memref<128x64xf32, #tpu.memory_space<vmem>>) dst(%dma_wait3A_153 : memref<10240x64xf32, #tpu.memory_space<vmem_shared>>)
        tpu.yield
      }) : () -> ()
      %lt3A_133 = arith.constant 78 : i32
      %lt3A_134 = arith.cmpi slt, %add3A_132, %lt3A_133 : i32
      %eq3A_135 = arith.constant 0 : i32
      %eq3A_136 = arith.cmpi eq, %arg0, %eq3A_135 : i32
      %eq3A_137 = arith.xori %lt3A_134, %eq3A_136 : i1
      %eq3A_138 = arith.constant true
      %eq3A_139 = arith.xori %eq3A_137, %eq3A_138 : i1
      %convert_element_type3A_140 = arith.extui %eq3A_139 : i1 to i32
      %cond3A_141 = arith.constant 0 : i32
      %cond3A_142 = arith.cmpi ne, %convert_element_type3A_140, %cond3A_141 : i32
      scf.if %cond3A_142 {
        "tpu.region"() ({
          %run_scoped3A_143 = tpu.sem_alloc : memref<!tpu.dma_semaphore, #tpu.memory_space<semaphore_mem>>
          %dma_start3A = arith.constant 0 : i32
          %dma_start3A_144 = tpu.memref_slice %arg14[%add3A_132, %dma_start3A] : memref<157x128xi32, #tpu.memory_space<vmem>> -> memref<1x128xi32, #tpu.memory_space<vmem>>
          %dma_start3A_145 = tpu.memref_squeeze %dma_start3A_144 : memref<1x128xi32, #tpu.memory_space<vmem>> -> memref<128xi32, #tpu.memory_space<vmem>>
          %dma_start3A_146 = arith.constant 0 : i32
          %dma_start3A_147 = arith.constant 0 : i32
          %dma_start3A_148 = tpu.memref_slice %arg21[%dma_start3A_146, %dma_start3A_147] : memref<10240x16xf32, #tpu.memory_space<vmem_shared>> -> memref<10240x16xf32, #tpu.memory_space<vmem_shared>>
          tpu.enqueue_indirect_dma source(%arg19 : memref<128x16xf32, #tpu.memory_space<vmem>>) target(%dma_start3A_148 : memref<10240x16xf32, #tpu.memory_space<vmem_shared>>) offsets(%dma_start3A_145 : memref<128xi32, #tpu.memory_space<vmem>>) semaphore(%run_scoped3A_143 : memref<!tpu.dma_semaphore, #tpu.memory_space<semaphore_mem>>) {add = true}
          %dma_wait3A = arith.constant 0 : i32
          %dma_wait3A_149 = tpu.memref_slice %arg14[%add3A_132, %dma_wait3A] : memref<157x128xi32, #tpu.memory_space<vmem>> -> memref<1x128xi32, #tpu.memory_space<vmem>>
          %dma_wait3A_150 = tpu.memref_squeeze %dma_wait3A_149 : memref<1x128xi32, #tpu.memory_space<vmem>> -> memref<128xi32, #tpu.memory_space<vmem>>
          %dma_wait3A_151 = arith.constant 0 : i32
          %dma_wait3A_152 = arith.constant 0 : i32
          %dma_wait3A_153 = tpu.memref_slice %arg21[%dma_wait3A_151, %dma_wait3A_152] : memref<10240x16xf32, #tpu.memory_space<vmem_shared>> -> memref<10240x16xf32, #tpu.memory_space<vmem_shared>>
          tpu.wait_indirect_dma semaphore(%run_scoped3A_143 : memref<!tpu.dma_semaphore, #tpu.memory_space<semaphore_mem>>) src(%arg19 : memref<128x16xf32, #tpu.memory_space<vmem>>) dst(%dma_wait3A_153 : memref<10240x16xf32, #tpu.memory_space<vmem_shared>>)
          tpu.yield
        }) : () -> ()
      } else {
      }
    }
    %scan3A_37 = arith.constant 78 : i32
    %eq3A_38 = arith.constant 0 : i32
    %eq3A_39 = arith.cmpi eq, %arg0, %eq3A_38 : i32
    %convert_element_type3A_40 = arith.extui %eq3A_39 : i1 to i32
    %cond3A_41 = arith.constant 0 : i32
    %cond3A_42 = arith.cmpi ne, %convert_element_type3A_40, %cond3A_41 : i32
    scf.if %cond3A_42 {
      %dma_wait3A = arith.constant 156 : i32
      %dma_wait3A_72 = arith.constant 0 : i32
      %dma_wait3A_73 = tpu.memref_slice %arg13[%dma_wait3A, %dma_wait3A_72] : memref<157x128xi32, #tpu.memory_space<vmem>> -> memref<1x128xi32, #tpu.memory_space<vmem>>
      %dma_wait3A_74 = tpu.memref_squeeze %dma_wait3A_73 : memref<1x128xi32, #tpu.memory_space<vmem>> -> memref<128xi32, #tpu.memory_space<vmem>>
      %dma_wait3A_75 = arith.constant 0 : i32
      %dma_wait3A_76 = arith.constant 0 : i32
      %dma_wait3A_77 = tpu.memref_slice %arg2[%dma_wait3A_75, %dma_wait3A_76] : memref<80000x64xf32, #tpu.memory_space<hbm>> -> memref<80000x64xf32, #tpu.memory_space<hbm>>
      tpu.wait_indirect_dma semaphore(%arg22 : memref<!tpu.dma_semaphore, #tpu.memory_space<semaphore_mem>>) src(%dma_wait3A_77 : memref<80000x64xf32, #tpu.memory_space<hbm>>) dst(%arg15 : memref<128x64xf32, #tpu.memory_space<vmem>>)
    } else {
    }
    %eq3A_43 = arith.constant 1 : i32
    %eq3A_44 = arith.cmpi eq, %arg0, %eq3A_43 : i32
    %convert_element_type3A_45 = arith.extui %eq3A_44 : i1 to i32
    %cond3A_46 = arith.constant 0 : i32
    %cond3A_47 = arith.cmpi ne, %convert_element_type3A_45, %cond3A_46 : i32
    scf.if %cond3A_47 {
      %dma_wait3A = arith.constant 156 : i32
      %dma_wait3A_72 = arith.constant 0 : i32
      %dma_wait3A_73 = tpu.memref_slice %arg13[%dma_wait3A, %dma_wait3A_72] : memref<157x128xi32, #tpu.memory_space<vmem>> -> memref<1x128xi32, #tpu.memory_space<vmem>>
      %dma_wait3A_74 = tpu.memref_squeeze %dma_wait3A_73 : memref<1x128xi32, #tpu.memory_space<vmem>> -> memref<128xi32, #tpu.memory_space<vmem>>
      %dma_wait3A_75 = arith.constant 0 : i32
      %dma_wait3A_76 = arith.constant 0 : i32
      %dma_wait3A_77 = tpu.memref_slice %arg3[%dma_wait3A_75, %dma_wait3A_76] : memref<80000x64xf32, #tpu.memory_space<hbm>> -> memref<80000x64xf32, #tpu.memory_space<hbm>>
      tpu.wait_indirect_dma semaphore(%arg22 : memref<!tpu.dma_semaphore, #tpu.memory_space<semaphore_mem>>) src(%dma_wait3A_77 : memref<80000x64xf32, #tpu.memory_space<hbm>>) dst(%arg15 : memref<128x64xf32, #tpu.memory_space<vmem>>)
    } else {
    }
    %run_scoped3A = arith.constant 156 : i32
    "tpu.region"() ({
      %run_scoped3A_72 = tpu.sem_alloc : memref<!tpu.dma_semaphore, #tpu.memory_space<semaphore_mem>>
      %dma_start3A = arith.constant 0 : i32
      %dma_start3A_73 = tpu.memref_slice %arg14[%run_scoped3A, %dma_start3A] : memref<157x128xi32, #tpu.memory_space<vmem>> -> memref<1x128xi32, #tpu.memory_space<vmem>>
      %dma_start3A_74 = tpu.memref_squeeze %dma_start3A_73 : memref<1x128xi32, #tpu.memory_space<vmem>> -> memref<128xi32, #tpu.memory_space<vmem>>
      %dma_start3A_75 = arith.constant 0 : i32
      %dma_start3A_76 = arith.constant 0 : i32
      %dma_start3A_77 = tpu.memref_slice %arg20[%dma_start3A_75, %dma_start3A_76] : memref<10240x64xf32, #tpu.memory_space<vmem_shared>> -> memref<10240x64xf32, #tpu.memory_space<vmem_shared>>
      tpu.enqueue_indirect_dma source(%arg15 : memref<128x64xf32, #tpu.memory_space<vmem>>) target(%dma_start3A_77 : memref<10240x64xf32, #tpu.memory_space<vmem_shared>>) offsets(%dma_start3A_74 : memref<128xi32, #tpu.memory_space<vmem>>) semaphore(%run_scoped3A_72 : memref<!tpu.dma_semaphore, #tpu.memory_space<semaphore_mem>>) {add = true}
      %dma_wait3A = arith.constant 0 : i32
      %dma_wait3A_78 = tpu.memref_slice %arg14[%run_scoped3A, %dma_wait3A] : memref<157x128xi32, #tpu.memory_space<vmem>> -> memref<1x128xi32, #tpu.memory_space<vmem>>
      %dma_wait3A_79 = tpu.memref_squeeze %dma_wait3A_78 : memref<1x128xi32, #tpu.memory_space<vmem>> -> memref<128xi32, #tpu.memory_space<vmem>>
      %dma_wait3A_80 = arith.constant 0 : i32
      %dma_wait3A_81 = arith.constant 0 : i32
      %dma_wait3A_82 = tpu.memref_slice %arg20[%dma_wait3A_80, %dma_wait3A_81] : memref<10240x64xf32, #tpu.memory_space<vmem_shared>> -> memref<10240x64xf32, #tpu.memory_space<vmem_shared>>
      tpu.wait_indirect_dma semaphore(%run_scoped3A_72 : memref<!tpu.dma_semaphore, #tpu.memory_space<semaphore_mem>>) src(%arg15 : memref<128x64xf32, #tpu.memory_space<vmem>>) dst(%dma_wait3A_82 : memref<10240x64xf32, #tpu.memory_space<vmem_shared>>)
      tpu.yield
    }) : () -> ()
    %eq3A_48 = arith.constant 0 : i32
    %eq3A_49 = arith.cmpi eq, %arg0, %eq3A_48 : i32
    %eq3A_50 = arith.constant false
    %eq3A_51 = arith.xori %eq3A_49, %eq3A_50 : i1
    %eq3A_52 = arith.constant true
    %eq3A_53 = arith.xori %eq3A_51, %eq3A_52 : i1
    %convert_element_type3A_54 = arith.extui %eq3A_53 : i1 to i32
    %cond3A_55 = arith.constant 0 : i32
    %cond3A_56 = arith.cmpi ne, %convert_element_type3A_54, %cond3A_55 : i32
    scf.if %cond3A_56 {
      %run_scoped3A_72 = arith.constant 156 : i32
      "tpu.region"() ({
        %run_scoped3A_73 = tpu.sem_alloc : memref<!tpu.dma_semaphore, #tpu.memory_space<semaphore_mem>>
        %dma_start3A = arith.constant 0 : i32
        %dma_start3A_74 = tpu.memref_slice %arg14[%run_scoped3A_72, %dma_start3A] : memref<157x128xi32, #tpu.memory_space<vmem>> -> memref<1x128xi32, #tpu.memory_space<vmem>>
        %dma_start3A_75 = tpu.memref_squeeze %dma_start3A_74 : memref<1x128xi32, #tpu.memory_space<vmem>> -> memref<128xi32, #tpu.memory_space<vmem>>
        %dma_start3A_76 = arith.constant 0 : i32
        %dma_start3A_77 = arith.constant 0 : i32
        %dma_start3A_78 = tpu.memref_slice %arg21[%dma_start3A_76, %dma_start3A_77] : memref<10240x16xf32, #tpu.memory_space<vmem_shared>> -> memref<10240x16xf32, #tpu.memory_space<vmem_shared>>
        tpu.enqueue_indirect_dma source(%arg19 : memref<128x16xf32, #tpu.memory_space<vmem>>) target(%dma_start3A_78 : memref<10240x16xf32, #tpu.memory_space<vmem_shared>>) offsets(%dma_start3A_75 : memref<128xi32, #tpu.memory_space<vmem>>) semaphore(%run_scoped3A_73 : memref<!tpu.dma_semaphore, #tpu.memory_space<semaphore_mem>>) {add = true}
        %dma_wait3A = arith.constant 0 : i32
        %dma_wait3A_79 = tpu.memref_slice %arg14[%run_scoped3A_72, %dma_wait3A] : memref<157x128xi32, #tpu.memory_space<vmem>> -> memref<1x128xi32, #tpu.memory_space<vmem>>
        %dma_wait3A_80 = tpu.memref_squeeze %dma_wait3A_79 : memref<1x128xi32, #tpu.memory_space<vmem>> -> memref<128xi32, #tpu.memory_space<vmem>>
        %dma_wait3A_81 = arith.constant 0 : i32
        %dma_wait3A_82 = arith.constant 0 : i32
        %dma_wait3A_83 = tpu.memref_slice %arg21[%dma_wait3A_81, %dma_wait3A_82] : memref<10240x16xf32, #tpu.memory_space<vmem_shared>> -> memref<10240x16xf32, #tpu.memory_space<vmem_shared>>
        tpu.wait_indirect_dma semaphore(%run_scoped3A_73 : memref<!tpu.dma_semaphore, #tpu.memory_space<semaphore_mem>>) src(%arg19 : memref<128x16xf32, #tpu.memory_space<vmem>>) dst(%dma_wait3A_83 : memref<10240x16xf32, #tpu.memory_space<vmem_shared>>)
        tpu.yield
      }) : () -> ()
    } else {
    }
    %barrier3A_57 = arith.constant 0 : index
    tpu.barrier barrier_id(%barrier3A_57)
    %mul3A_58 = arith.constant 640 : i32
    %mul3A_59 = arith.muli %arg1, %mul3A_58 : i32
    %mul3A_60 = arith.constant 10240 : i32
    %mul3A_61 = arith.muli %arg0, %mul3A_60 : i32
    %mul3A_62 = arith.constant 640 : i32
    %mul3A_63 = arith.muli %arg1, %mul3A_62 : i32
    %add3A_64 = arith.addi %mul3A_61, %mul3A_63 : i32
    "tpu.region"() ({
      %run_scoped3A_72 = tpu.sem_alloc : memref<!tpu.dma_semaphore, #tpu.memory_space<semaphore_mem>>
      %dma_start3A = arith.constant 0 : i32
      %dma_start3A_73 = tpu.memref_slice %arg11[%add3A_64, %dma_start3A] : memref<20480x64xf32, #tpu.memory_space<hbm>> -> memref<640x64xf32, #tpu.memory_space<hbm>>
      %dma_start3A_74 = arith.constant 0 : i32
      %dma_start3A_75 = tpu.memref_slice %arg20[%mul3A_59, %dma_start3A_74] : memref<10240x64xf32, #tpu.memory_space<vmem_shared>> -> memref<640x64xf32, #tpu.memory_space<vmem_shared>>
      tpu.enqueue_dma source(%dma_start3A_75 : memref<640x64xf32, #tpu.memory_space<vmem_shared>>) target(%dma_start3A_73 : memref<640x64xf32, #tpu.memory_space<hbm>>) target_semaphore(%run_scoped3A_72 : memref<!tpu.dma_semaphore, #tpu.memory_space<semaphore_mem>>)
      %dma_wait3A = arith.constant 0 : i32
      %dma_wait3A_76 = tpu.memref_slice %arg11[%add3A_64, %dma_wait3A] : memref<20480x64xf32, #tpu.memory_space<hbm>> -> memref<640x64xf32, #tpu.memory_space<hbm>>
      %dma_wait3A_77 = arith.constant 0 : i32
      %dma_wait3A_78 = tpu.memref_slice %arg20[%mul3A_59, %dma_wait3A_77] : memref<10240x64xf32, #tpu.memory_space<vmem_shared>> -> memref<640x64xf32, #tpu.memory_space<vmem_shared>>
      tpu.wait_dma2 semaphore(%run_scoped3A_72 : memref<!tpu.dma_semaphore, #tpu.memory_space<semaphore_mem>>) src(%dma_wait3A_78 : memref<640x64xf32, #tpu.memory_space<vmem_shared>>) dst(%dma_wait3A_76 : memref<640x64xf32, #tpu.memory_space<hbm>>)
      tpu.yield
    }) : () -> ()
    %mul3A_65 = arith.constant 640 : i32
    %mul3A_66 = arith.muli %arg1, %mul3A_65 : i32
    %mul3A_67 = arith.constant 10240 : i32
    %mul3A_68 = arith.muli %arg0, %mul3A_67 : i32
    %mul3A_69 = arith.constant 640 : i32
    %mul3A_70 = arith.muli %arg1, %mul3A_69 : i32
    %add3A_71 = arith.addi %mul3A_68, %mul3A_70 : i32
    "tpu.region"() ({
      %run_scoped3A_72 = tpu.sem_alloc : memref<!tpu.dma_semaphore, #tpu.memory_space<semaphore_mem>>
      %dma_start3A = arith.constant 0 : i32
      %dma_start3A_73 = tpu.memref_slice %arg12[%add3A_71, %dma_start3A] : memref<20480x16xf32, #tpu.memory_space<hbm>> -> memref<640x16xf32, #tpu.memory_space<hbm>>
      %dma_start3A_74 = arith.constant 0 : i32
      %dma_start3A_75 = tpu.memref_slice %arg21[%mul3A_66, %dma_start3A_74] : memref<10240x16xf32, #tpu.memory_space<vmem_shared>> -> memref<640x16xf32, #tpu.memory_space<vmem_shared>>
      tpu.enqueue_dma source(%dma_start3A_75 : memref<640x16xf32, #tpu.memory_space<vmem_shared>>) target(%dma_start3A_73 : memref<640x16xf32, #tpu.memory_space<hbm>>) target_semaphore(%run_scoped3A_72 : memref<!tpu.dma_semaphore, #tpu.memory_space<semaphore_mem>>)
      %dma_wait3A = arith.constant 0 : i32
      %dma_wait3A_76 = tpu.memref_slice %arg12[%add3A_71, %dma_wait3A] : memref<20480x16xf32, #tpu.memory_space<hbm>> -> memref<640x16xf32, #tpu.memory_space<hbm>>
      %dma_wait3A_77 = arith.constant 0 : i32
      %dma_wait3A_78 = tpu.memref_slice %arg21[%mul3A_66, %dma_wait3A_77] : memref<10240x16xf32, #tpu.memory_space<vmem_shared>> -> memref<640x16xf32, #tpu.memory_space<vmem_shared>>
      tpu.wait_dma2 semaphore(%run_scoped3A_72 : memref<!tpu.dma_semaphore, #tpu.memory_space<semaphore_mem>>) src(%dma_wait3A_78 : memref<640x16xf32, #tpu.memory_space<vmem_shared>>) dst(%dma_wait3A_76 : memref<640x16xf32, #tpu.memory_space<hbm>>)
      tpu.yield
    }) : () -> ()
    return
  }
}

module attributes {stable_mosaic.version = 14 : i64} {
  func.func @_mm_body(%arg0: i32, %arg1: memref<200x128xf32, #tpu.memory_space<vmem>>, %arg2: memref<128x512xf32, #tpu.memory_space<vmem>>, %arg3: memref<128x512xf32, #tpu.memory_space<vmem>>, %arg4: memref<128x128xf32, #tpu.memory_space<vmem>>, %arg5: memref<200x512xf32, #tpu.memory_space<vmem>>, %arg6: memref<200x512xf32, #tpu.memory_space<vmem>>, %arg7: memref<200x128xf32, #tpu.memory_space<vmem>>) attributes {dimension_semantics = [#tpu.dimension_semantics<arbitrary>], iteration_bounds = array<i64: 50>, scalar_prefetch = 0 : i64, scratch_operands = 0 : i64, tpu.core_type = #tpu.core_type<tc>, window_params = [{transform_indices = @transform_0, window_bounds = array<i64: 200, 128>}, {pipeline_mode = #tpu.pipeline_mode<synchronous>, transform_indices = @transform_1, window_bounds = array<i64: 128, 512>}, {pipeline_mode = #tpu.pipeline_mode<synchronous>, transform_indices = @transform_2, window_bounds = array<i64: 128, 512>}, {pipeline_mode = #tpu.pipeline_mode<synchronous>, transform_indices = @transform_3, window_bounds = array<i64: 128, 128>}, {transform_indices = @transform_4, window_bounds = array<i64: 200, 512>}, {transform_indices = @transform_5, window_bounds = array<i64: 200, 512>}, {transform_indices = @transform_6, window_bounds = array<i64: 200, 128>}]} {
    %get3A = arith.constant 0 : index
    %get3A_0 = arith.constant 0 : index
    %get3A_1 = vector.load %arg1[%get3A, %get3A_0] : memref<200x128xf32, #tpu.memory_space<vmem>>, vector<200x128xf32>
    %get3A_2 = arith.constant 0 : index
    %get3A_3 = arith.constant 0 : index
    %get3A_4 = vector.load %arg2[%get3A_2, %get3A_3] : memref<128x512xf32, #tpu.memory_space<vmem>>, vector<128x512xf32>
    %dot_general3A = arith.constant dense<0.000000e+00> : vector<200x512xf32>
    %dot_general3A_5 = tpu.matmul %get3A_1, %get3A_4, %dot_general3A {dimension_numbers = #tpu.dot_dimension_numbers<[1], [0], [0], [1], [0, 0, 1, 1], [], []>, transpose_lhs_hint = false} : vector<200x128xf32>, vector<128x512xf32>, vector<200x512xf32> -> vector<200x512xf32>
    %swap3A = arith.constant 0 : index
    %swap3A_6 = arith.constant 0 : index
    %swap3A_7 = vector.load %arg5[%swap3A, %swap3A_6] : memref<200x512xf32, #tpu.memory_space<vmem>>, vector<200x512xf32>
    tpu.vector_store %arg5[%swap3A, %swap3A_6], %dot_general3A_5 {strides = array<i32>} : memref<200x512xf32, #tpu.memory_space<vmem>>, vector<200x512xf32>,
    %get3A_8 = arith.constant 0 : index
    %get3A_9 = arith.constant 0 : index
    %get3A_10 = vector.load %arg3[%get3A_8, %get3A_9] : memref<128x512xf32, #tpu.memory_space<vmem>>, vector<128x512xf32>
    %dot_general3A_11 = arith.constant dense<0.000000e+00> : vector<200x512xf32>
    %dot_general3A_12 = tpu.matmul %get3A_1, %get3A_10, %dot_general3A_11 {dimension_numbers = #tpu.dot_dimension_numbers<[1], [0], [0], [1], [0, 0, 1, 1], [], []>, transpose_lhs_hint = false} : vector<200x128xf32>, vector<128x512xf32>, vector<200x512xf32> -> vector<200x512xf32>
    %swap3A_13 = arith.constant 0 : index
    %swap3A_14 = arith.constant 0 : index
    %swap3A_15 = vector.load %arg6[%swap3A_13, %swap3A_14] : memref<200x512xf32, #tpu.memory_space<vmem>>, vector<200x512xf32>
    tpu.vector_store %arg6[%swap3A_13, %swap3A_14], %dot_general3A_12 {strides = array<i32>} : memref<200x512xf32, #tpu.memory_space<vmem>>, vector<200x512xf32>,
    %get3A_16 = arith.constant 0 : index
    %get3A_17 = arith.constant 0 : index
    %get3A_18 = vector.load %arg4[%get3A_16, %get3A_17] : memref<128x128xf32, #tpu.memory_space<vmem>>, vector<128x128xf32>
    %dot_general3A_19 = arith.constant dense<0.000000e+00> : vector<200x128xf32>
    %dot_general3A_20 = tpu.matmul %get3A_1, %get3A_18, %dot_general3A_19 {dimension_numbers = #tpu.dot_dimension_numbers<[1], [0], [0], [1], [0, 0, 1, 1], [], []>, transpose_lhs_hint = false} : vector<200x128xf32>, vector<128x128xf32>, vector<200x128xf32> -> vector<200x128xf32>
    %swap3A_21 = arith.constant 0 : index
    %swap3A_22 = arith.constant 0 : index
    %swap3A_23 = vector.load %arg7[%swap3A_21, %swap3A_22] : memref<200x128xf32, #tpu.memory_space<vmem>>, vector<200x128xf32>
    tpu.vector_store %arg7[%swap3A_21, %swap3A_22], %dot_general3A_20 {strides = array<i32>} : memref<200x128xf32, #tpu.memory_space<vmem>>, vector<200x128xf32>,
    return
  }
  func.func @transform_0(%arg0: i32) -> (i32, i32) {
    %c0_i32 = arith.constant 0 : i32
    %c0_i32_0 = arith.constant 0 : i32
    return %arg0, %c0_i32 : i32, i32
  }
  func.func @transform_1(%arg0: i32) -> (i32, i32) {
    %c0_i32 = arith.constant 0 : i32
    %c0_i32_0 = arith.constant 0 : i32
    %c0_i32_1 = arith.constant 0 : i32
    return %c0_i32, %c0_i32_0 : i32, i32
  }
  func.func @transform_2(%arg0: i32) -> (i32, i32) {
    %c0_i32 = arith.constant 0 : i32
    %c0_i32_0 = arith.constant 0 : i32
    %c0_i32_1 = arith.constant 0 : i32
    return %c0_i32, %c0_i32_0 : i32, i32
  }
  func.func @transform_3(%arg0: i32) -> (i32, i32) {
    %c0_i32 = arith.constant 0 : i32
    %c0_i32_0 = arith.constant 0 : i32
    %c0_i32_1 = arith.constant 0 : i32
    return %c0_i32, %c0_i32_0 : i32, i32
  }
  func.func @transform_4(%arg0: i32) -> (i32, i32) {
    %c0_i32 = arith.constant 0 : i32
    %c0_i32_0 = arith.constant 0 : i32
    return %arg0, %c0_i32 : i32, i32
  }
  func.func @transform_5(%arg0: i32) -> (i32, i32) {
    %c0_i32 = arith.constant 0 : i32
    %c0_i32_0 = arith.constant 0 : i32
    return %arg0, %c0_i32 : i32, i32
  }
  func.func @transform_6(%arg0: i32) -> (i32, i32) {
    %c0_i32 = arith.constant 0 : i32
    %c0_i32_0 = arith.constant 0 : i32
    return %arg0, %c0_i32 : i32, i32
  }
}

module attributes {stable_mosaic.version = 14 : i64} {
  func.func @_idx_body(%arg0: memref<2500x128xi32, #tpu.memory_space<vmem>>, %arg1: memref<2500x128xi32, #tpu.memory_space<vmem>>, %arg2: memref<2500x128xi32, #tpu.memory_space<vmem>>) attributes {dimension_semantics = [], scalar_prefetch = 0 : i64, scratch_operands = 0 : i64, tpu.core_type = #tpu.core_type<tc>} {
    %get3A = arith.constant 0 : index
    %get3A_0 = arith.constant 0 : index
    %get3A_1 = vector.load %arg0[%get3A, %get3A_0] : memref<2500x128xi32, #tpu.memory_space<vmem>>, vector<2500x128xi32>
    %mul3A = arith.constant 8 : i32
    %mul3A_2 = vector.broadcast %mul3A : i32 to vector<2500x128xi32>
    %mul3A_3 = arith.muli %get3A_1, %mul3A_2 : vector<2500x128xi32>
    %get3A_4 = arith.constant 0 : index
    %get3A_5 = arith.constant 0 : index
    %get3A_6 = vector.load %arg1[%get3A_4, %get3A_5] : memref<2500x128xi32, #tpu.memory_space<vmem>>, vector<2500x128xi32>
    %add3A = arith.addi %mul3A_3, %get3A_6 : vector<2500x128xi32>
    %swap3A = arith.constant 0 : index
    %swap3A_7 = arith.constant 0 : index
    %swap3A_8 = vector.load %arg2[%swap3A, %swap3A_7] : memref<2500x128xi32, #tpu.memory_space<vmem>>, vector<2500x128xi32>
    tpu.vector_store %arg2[%swap3A, %swap3A_7], %add3A {strides = array<i32>} : memref<2500x128xi32, #tpu.memory_space<vmem>>, vector<2500x128xi32>,
    return
  }
}

module attributes {stable_mosaic.version = 14 : i64} {
  func.func @_combine_body(%arg0: i32, %arg1: memref<200x128xf32, #tpu.memory_space<vmem>>, %arg2: memref<8x128xf32, #tpu.memory_space<vmem>>, %arg3: memref<2x200x64xf32, #tpu.memory_space<vmem>>, %arg4: memref<2x200x16xf32, #tpu.memory_space<vmem>>, %arg5: memref<200x128xf32, #tpu.memory_space<vmem>>) attributes {dimension_semantics = [#tpu.dimension_semantics<arbitrary>], iteration_bounds = array<i64: 50>, scalar_prefetch = 0 : i64, scratch_operands = 0 : i64, tpu.core_type = #tpu.core_type<tc>, window_params = [{transform_indices = @transform_0, window_bounds = array<i64: 200, 128>}, {pipeline_mode = #tpu.pipeline_mode<synchronous>, transform_indices = @transform_1, window_bounds = array<i64: 8, 128>}, {transform_indices = @transform_2, window_bounds = array<i64: 2, 200, 64>}, {transform_indices = @transform_3, window_bounds = array<i64: 2, 200, 16>}, {transform_indices = @transform_4, window_bounds = array<i64: 200, 128>}]} {
    %get3A = arith.constant 0 : index
    %get3A_0 = arith.constant 0 : index
    %get3A_1 = arith.constant 0 : index
    %get3A_2 = vector.load %arg4[%get3A, %get3A_0, %get3A_1] : memref<2x200x16xf32, #tpu.memory_space<vmem>>, vector<1x200x1xf32>
    %get3A_3 = vector.shape_cast %get3A_2 : vector<1x200x1xf32> to vector<200x1xf32>
    %get3A_4 = arith.constant 1 : index
    %get3A_5 = arith.constant 0 : index
    %get3A_6 = arith.constant 0 : index
    %get3A_7 = vector.load %arg4[%get3A_4, %get3A_5, %get3A_6] : memref<2x200x16xf32, #tpu.memory_space<vmem>>, vector<1x200x1xf32>
    %get3A_8 = vector.shape_cast %get3A_7 : vector<1x200x1xf32> to vector<200x1xf32>
    %add3A = arith.addf %get3A_3, %get3A_8 : vector<200x1xf32>
    %max3A = arith.constant 1.000000e+00 : f32
    %max3A_9 = vector.broadcast %max3A : f32 to vector<200x1xf32>
    %max3A_10 = arith.maximumf %add3A, %max3A_9 : vector<200x1xf32>
    %get3A_11 = arith.constant 0 : index
    %get3A_12 = arith.constant 0 : index
    %get3A_13 = arith.constant 0 : index
    %get3A_14 = vector.load %arg3[%get3A_11, %get3A_12, %get3A_13] : memref<2x200x64xf32, #tpu.memory_space<vmem>>, vector<1x200x64xf32>
    %get3A_15 = vector.shape_cast %get3A_14 : vector<1x200x64xf32> to vector<200x64xf32>
    %get3A_16 = arith.constant 1 : index
    %get3A_17 = arith.constant 0 : index
    %get3A_18 = arith.constant 0 : index
    %get3A_19 = vector.load %arg3[%get3A_16, %get3A_17, %get3A_18] : memref<2x200x64xf32, #tpu.memory_space<vmem>>, vector<1x200x64xf32>
    %get3A_20 = vector.shape_cast %get3A_19 : vector<1x200x64xf32> to vector<200x64xf32>
    %concatenate3A = tpu.concatenate %get3A_15, %get3A_20 in 1 : vector<200x64xf32>, vector<200x64xf32> -> vector<200x128xf32>
    %get3A_21 = arith.constant 0 : index
    %get3A_22 = arith.constant 0 : index
    %get3A_23 = vector.load %arg1[%get3A_21, %get3A_22] : memref<200x128xf32, #tpu.memory_space<vmem>>, vector<200x128xf32>
    %get3A_24 = arith.constant 0 : index
    %get3A_25 = arith.constant 0 : index
    %get3A_26 = vector.load %arg2[%get3A_24, %get3A_25] : memref<8x128xf32, #tpu.memory_space<vmem>>, vector<1x128xf32>
    %add3A_27 = vector.broadcast %get3A_26 : vector<1x128xf32> to vector<200x128xf32>
    %add3A_28 = arith.addf %get3A_23, %add3A_27 : vector<200x128xf32>
    %div3A = vector.broadcast %max3A_10 : vector<200x1xf32> to vector<200x128xf32>
    %div3A_29 = arith.divf %concatenate3A, %div3A : vector<200x128xf32>
    %add3A_30 = arith.addf %add3A_28, %div3A_29 : vector<200x128xf32>
    %max3A_31 = arith.constant 0.000000e+00 : f32
    %max3A_32 = vector.broadcast %max3A_31 : f32 to vector<200x128xf32>
    %max3A_33 = arith.maximumf %add3A_30, %max3A_32 : vector<200x128xf32>
    %swap3A = arith.constant 0 : index
    %swap3A_34 = arith.constant 0 : index
    %swap3A_35 = vector.load %arg5[%swap3A, %swap3A_34] : memref<200x128xf32, #tpu.memory_space<vmem>>, vector<200x128xf32>
    tpu.vector_store %arg5[%swap3A, %swap3A_34], %max3A_33 {strides = array<i32>} : memref<200x128xf32, #tpu.memory_space<vmem>>, vector<200x128xf32>,
    return
  }
  func.func @transform_0(%arg0: i32) -> (i32, i32) {
    %c0_i32 = arith.constant 0 : i32
    %c0_i32_0 = arith.constant 0 : i32
    return %arg0, %c0_i32 : i32, i32
  }
  func.func @transform_1(%arg0: i32) -> (i32, i32) {
    %c0_i32 = arith.constant 0 : i32
    %c0_i32_0 = arith.constant 0 : i32
    %c0_i32_1 = arith.constant 0 : i32
    return %c0_i32, %c0_i32_0 : i32, i32
  }
  func.func @transform_2(%arg0: i32) -> (i32, i32, i32) {
    %c0_i32 = arith.constant 0 : i32
    %c0_i32_0 = arith.constant 0 : i32
    %c0_i32_1 = arith.constant 0 : i32
    return %c0_i32, %arg0, %c0_i32_0 : i32, i32, i32
  }
  func.func @transform_3(%arg0: i32) -> (i32, i32, i32) {
    %c0_i32 = arith.constant 0 : i32
    %c0_i32_0 = arith.constant 0 : i32
    %c0_i32_1 = arith.constant 0 : i32
    return %c0_i32, %arg0, %c0_i32_0 : i32, i32, i32
  }
  func.func @transform_4(%arg0: i32) -> (i32, i32) {
    %c0_i32 = arith.constant 0 : i32
    %c0_i32_0 = arith.constant 0 : i32
    return %arg0, %c0_i32 : i32, i32
  }
}

</mosaic_0001>

<sc_bundles>
// kernel: kernel.6.cloned.1.call-start
scs
__scs_entry_jumppad:
0x0: {  	(pc) =	sbr.rel $0x88, $3  }
0x1: {  	(tag) =	ssettag $0x0;
	lr =	simm.s32 $0x1  }
0x2: {  	[smem:$0x3F9B] =	sst lr;
	_ =	strace $0xD0000000  }
0x3: {  	_ = 	snop  }
0x4: {  	_ = 	snop  }
0x5: {  	_ = 	snop  }
0x6: {  	_ = 	snop  }
0x7: {  	_ = 	snop  }
__scs_overlays_trampoline_lowered:
0x8: {  	[smem:$0x3FAA] =	sst s0  }
0x9: {  	[smem:$0x3FAB] =	sst s1  }
0xa: {  	[smem:$0x3FAC] =	sst s2  }
0xb: {  	[smem:$0x3FAD] =	sst s3  }
0xc: {  	[smem:$0x3FAE] =	sst s4  }
0xd: {  	[smem:$0x3FAF] =	sst s5  }
0xe: {  	[smem:$0x3FB0] =	sst s6  }
0xf: {  	[smem:$0x3FB1] =	sst s7  }
0x10: {  	[smem:$0x3FB2] =	sst s8  }
0x11: {  	[smem:$0x3FB3] =	sst s9;
	s0 =	simm.s32 @!p0 $0x0  }
0x12: {  	s1 =	sld [smem:$0x3F99];
	s0 =	simm.s32 @p0 $0x1  }
0x13: {  	[smem:$0x3FB4] =	sst s0;
	s0 =	simm.s32 @!p1 $0x0  }
0x14: {  	s2 =	sld [smem:$0x3F98];
	s0 =	simm.s32 @p1 $0x1  }
0x15: {  	[smem:$0x3FB5] =	sst s0;
	s0 =	simm.s32 @!p2 $0x0  }
0x16: {  	s3 =	sld [smem:$0x3FDB];
	s0 =	simm.s32 @p2 $0x1  }
0x17: {  	s4 =	simm.s32 $0x1BF5;
	[smem:$0x3FB7] =	sst s0  }
0x18: {  	s0 =	sld [smem:$0x3F9A];
	_ =	swait.ge [sflag:s4], $0x0  }
0x19: {  	s7 =	sld [smem:$0x3F9B]  }
0x1a: {  	s8 =	sadd.s32 $0xFFFFE003, lr  }
0x1b: {  	s9 =	sadd.s32 $0xFFFFFEF7, lr;
	s5 =	simm.s32 $0xFFFFFFFF;
	p2 =	slt.u32 s8, $0xFFFFF086  }
0x1c: {  	p1 =	slt.u32 s9, $0xF7A;
	s5 =	simm.s32 @!p2 $0x0  }
0x1d: {  	s5 =	simm.s32 @p1 $0x1;
	p0 =	seq.s32 s7, s2  }
0x1e: {  	s7 =	smul.u32 @!p0 $0xF7A, s2;
	p2 =	seq.s32 @!p0 s5, $0x0  }
0x1f: {  	s9 =	smul.u32 $0xF7A, s1;
	s8 =	simm.s32 @!p0 $0x1BF5;
	p2 =	por !p2, p0  }
0x20: {  	[sflag:s8] =	ssyncset.s32 @!p0 $0xFFFFF086;
	s6 =	sadd.s32 @!p0 s3, s7;
	s7 =	simm.s32 @!p0 $0x108  }
0x21: {  	s3 =	sadd.s32 s3, s9;
	s6 =	sadd.s32 @!p0 $0x88, s6;
	s7 =	simm.s32 @p2 $0x1082  }
0x22: {  	[simem:s7], [sflag:s8] =	dma.local @!p0 [hbm:s6], $0xF7A  }
0x23: {  	s9 =	sor.u32 $0xD0000000, s2;
	s6 =	simm.s32 $0x108;
	_ =	swait.ge @!p0 [sflag:s8], $0x0  }
0x24: {  	s3 =	sadd.s32 $0x88, s3;
	s6 =	simm.s32 @!p1 $0x1082;
	[sflag:s4] =	ssyncset.s32 $0xFFFFF086  }
0x25: {  	[simem:s6], [sflag:s4] =	dma.local [hbm:s3], $0xF7A  }
0x26: {  	[smem:$0x3F9B] =	sst s1;
	(tag) =	ssettag s2;
	_ =	strace s9  }
0x27: {  	s1 =	sld [smem:$0x3FAB]  }
0x28: {  	s2 =	sld [smem:$0x3FAC]  }
0x29: {  	s4 =	sld [smem:$0x3FAE]  }
0x2a: {  	p0 =	seq.s32 s5, $0x0;
	s5 =	sld [smem:$0x3FAF]  }
0x2b: {  	s6 =	sld [smem:$0x3FB0]  }
0x2c: {  	s7 =	sld [smem:$0x3FB1]  }
0x2d: {  	s3 =	simm.s32 $0x108;
	s8 =	sld [smem:$0x3FB2]  }
0x2e: {  	s3 =	simm.s32 @!p0 $0x1082;
	s9 =	sld [smem:$0x3FB3]  }
0x2f: {  	lr =	sadd.s32 s0, s3;
	s0 =	sld [smem:$0x3FAA]  }
0x30: {  	s3 =	sld [smem:$0x3FAD]  }
0x31: {  	[smem:$0x3FB6] =	sst s10  }
0x32: {  	s10 =	sld [smem:$0x3FB4];
	_ =	sdelay $0x3  }
0x33: {  	p0 =	seq.s32 s10, $0x1;
	s10 =	sld [smem:$0x3FB6];
	_ =	sdelay $0x3  }
0x34: {  	[smem:$0x3FB6] =	sst s10  }
0x35: {  	s10 =	sld [smem:$0x3FB5];
	_ =	sdelay $0x3  }
0x36: {  	p1 =	seq.s32 s10, $0x1;
	s10 =	sld [smem:$0x3FB6];
	_ =	sdelay $0x3  }
0x37: {  	[smem:$0x3FB6] =	sst s10  }
0x38: {  	s10 =	sld [smem:$0x3FB7]  }
0x39: {  	_ = 	snop;
	(pc) =	sbr.ind lr, $3  }
0x3a: {  	_ = 	snop  }
0x3b: {  	_ = 	snop  }
0x3c: {  	p2 =	seq.s32 s10, $0x1;
	s10 =	sld [smem:$0x3FB6]  }
0x3d: {  	_ =	shalt  }
0x3e: {  	_ =	shalt  }
0x3f: {  	_ =	shalt  }
0x40: {  	_ =	shalt  }
0x41: {  	_ =	shalt  }
0x42: {  	_ =	shalt  }
0x43: {  	_ =	shalt  }
0x44: {  	_ =	shalt  }
0x45: {  	_ =	shalt  }
0x46: {  	_ =	shalt  }
0x47: {  	_ =	shalt  }
0x48: {  	_ =	shalt  }
0x49: {  	_ =	shalt  }
0x4a: {  	_ =	shalt  }
0x4b: {  	_ =	shalt  }
0x4c: {  	_ =	shalt  }
0x4d: {  	_ =	shalt  }
0x4e: {  	_ =	shalt  }
0x4f: {  	_ =	shalt  }
0x50: {  	_ =	shalt  }
0x51: {  	_ =	shalt  }
0x52: {  	_ =	shalt  }
0x53: {  	_ =	shalt  }
0x54: {  	_ =	shalt  }
0x55: {  	_ =	shalt  }
0x56: {  	_ =	shalt  }
0x57: {  	_ =	shalt  }
0x58: {  	_ =	shalt  }
0x59: {  	_ =	shalt  }
0x5a: {  	_ =	shalt  }
0x5b: {  	_ =	shalt  }
0x5c: {  	_ =	shalt  }
0x5d: {  	_ =	shalt  }
0x5e: {  	_ =	shalt  }
0x5f: {  	_ =	shalt  }
0x60: {  	_ =	shalt  }
0x61: {  	_ =	shalt  }
0x62: {  	_ =	shalt  }
0x63: {  	_ =	shalt  }
0x64: {  	_ =	shalt  }
0x65: {  	_ =	shalt  }
0x66: {  	_ =	shalt  }
0x67: {  	_ =	shalt  }
0x68: {  	_ =	shalt  }
0x69: {  	_ =	shalt  }
0x6a: {  	_ =	shalt  }
0x6b: {  	_ =	shalt  }
0x6c: {  	_ =	shalt  }
0x6d: {  	_ =	shalt  }
0x6e: {  	_ =	shalt  }
0x6f: {  	_ =	shalt  }
0x70: {  	_ =	shalt  }
0x71: {  	_ =	shalt  }
0x72: {  	_ =	shalt  }
0x73: {  	_ =	shalt  }
0x74: {  	_ =	shalt  }
0x75: {  	_ =	shalt  }
0x76: {  	_ =	shalt  }
0x77: {  	_ =	shalt  }
0x78: {  	_ =	shalt  }
0x79: {  	_ =	shalt  }
0x7a: {  	_ =	shalt  }
0x7b: {  	_ =	shalt  }
0x7c: {  	_ =	shalt  }
0x7d: {  	_ =	shalt  }
0x7e: {  	_ =	shalt  }
0x7f: {  	_ =	shalt  }
0x80: {  	_ =	shalt  }
0x81: {  	_ =	shalt  }
0x82: {  	_ =	shalt  }
0x83: {  	_ =	shalt  }
0x84: {  	_ =	shalt  }
0x85: {  	_ =	shalt  }
0x86: {  	_ =	shalt  }
0x87: {  	_ =	shalt  }
.Lfunc_end0:
.L_simem_size_0:
called_computation_lowered:
.L_overlay_start_0:
0x88: {  	s2 =	sld [smem:$0x3FD9]  }
0x89: {  	s3 =	sld [smem:$0x3FFE];
	_ =	sdelay $0x1  }
0x8a: {  	s1 =	srdreg.scid  }
0x8b: {  	s0 =	sand.u32 $0x1, s1  }
0x8c: {  	s17 =	sshll.u32 s0, $0xA;
	s2 =	sadd.s32 s3, s2  }
0x8d: {  	s2 =	sadd.s32 s2, s17  }
0x8e: {  	[smem:$0x3FC2] =	sst s2  }
0x8f: {  	_ = 	snop  }
0x90: {  	s2 =	sld [smem:$0x3FD0];
	(tm) =	ssettm $0x1  }
0x91: {  	s18 =	sld [smem:$0x3FFB];
	_ =	sdelay $0x3  }
0x92: {  	_ =	strace s18  }
0x93: {  	s3 =	sld [smem:$0x3FFC];
	_ =	sdelay $0x3  }
0x94: {  	_ =	strace s3  }
0x95: {  	s3 =	sld [smem:$0x3FFD];
	_ =	sdelay $0x3  }
0x96: {  	_ =	strace s3  }
0x97: {  	_ =	strace $0x8FFFFFFF  }
0x98: {  	s19 =	sld [smem:$0x3FDB];
	_ =	sdelay $0x1  }
0x99: {  	s4 =	simm.s32 $_scs_section_size  }
0x9a: {  	s5 =	simm.s32 $_size__tile_overlayer_lowered;
	s6 =	simm.s32 $_tile_overlayer_lowered  }
0x9b: {  	s22 =	simm.s32 $0x1BFF;
	s21 =	sshll.u32 s6, $0x1;
	s3 =	sadd.s32 s4, s19  }
0x9c: {  	s7 =	simm.s32 $0x0;
	s20 =	sshll.u32 s5, $0x1;
	s5 =	sadd.s32 s21, s3  }
0x9d: {  	[timem:s7], [sflag:s22] =	dma.local [hbm:s5], s20  }
0x9e: {  	_ =	swait.ge [sflag:s22], s20  }
0x9f: {  	s4 =	ssub.s32 $0x0, s20;
	[sflag:s22] =	ssyncset.done $0x0  }
0xa0: {  	[sflag:s22] =	ssyncadd.s32 s4;
	_ =	sdelay $0x1  }
0xa1: {  	s23 =	simm.s32 $0x1B8B  }
0xa2: {  	_ =	swait.ge [sflag:s23], $0x1  }
0xa3: {  	[sflag:s23] =	ssyncset.done $0x0  }
0xa4: {  	s25 =	simm.s32 $0x1B8E;
	s24 =	sld [smem:$0x3FFE];
	[sflag:s23] =	ssyncadd.s32 $0xFFFFFFFF  }
0xa5: {  	s26 =	simm.s32 $execute0_lowered;
	[smem:$0x3FD2] =	sst s25  }
0xa6: {  	s5 =	sshll.u32 s26, $0x1;
	_ =	strace $0x80000046;
	[dreg:$0x1] =	wrdreg $0xFFFFFFFF  }
0xa7: {  	s28 =	simm.s32 $_size_execute0_lowered;
	s3 =	sadd.s32 s3, s5;
	[dreg:$0x0] =	wrdreg $0x0  }
0xa8: {  	s5 =	sshll.u32 s28, $0x1;
	[dreg:$0x2] =	wrdreg s3  }
0xa9: {  	[dreg:$0x3] =	wrdreg s5  }
0xaa: {  	[dreg:$0x4] =	wrdreg $0xC0  }
0xab: {  	_ =	task [dreg:s7], $0x5FFFF  }
0xac: {  	[dreg:$0x1] =	wrdreg $0xFFFFFFFF  }
0xad: {  	[dreg:$0x0] =	wrdreg $0x60  }
0xae: {  	[dreg:$0x2] =	wrdreg s24  }
0xaf: {  	[dreg:$0x3] =	wrdreg s2  }
0xb0: {  	[dreg:$0x4] =	wrdreg $0x10D000  }
0xb1: {  	[dreg:$0x5] =	wrdreg $0x1AD000  }
0xb2: {  	[dreg:$0x6] =	wrdreg $0x9  }
0xb3: {  	_ =	task.clear_ibuf [dreg:s7], $0x7FFFF;
	_ =	strace $0x90000046  }
0xb4: {  	s29 =	simm.s32 $0x9;
	_ =	strace $0x80000048  }
0xb5: {  	_ =	swait.ge [sflag:s29], $0x1  }
0xb6: {  	[sflag:s29] =	ssyncadd.s32 $0xFFFFFFFF  }
0xb7: {  	_ =	strace $0x90000048  }
0xb8: {  	_ =	sfence  }
0xb9: {  	s30 =	sld [smem:$0x0];
	_ =	sdelay $0x2  }
0xba: {  	s31 =	sshll.u32 s1, $0xD;
	s1 =	sshrl.u32 s1, $0x2  }
0xbb: {  	s3 =	sand.u32 $0x4000, s31;
	s1 =	sadd.s32 s1, s30  }
0xbc: {  	s0 =	sor.u32 s3, s0;
	s1 =	sshll.u32 s1, $0x11  }
0xbd: {  	s0 =	sor.u32 s1, s0  }
0xbe: {  	s0 =	sadd.s32 $0x8F2B, s0  }
0xbf: {  	[sflag:s0] =	ssyncadd.remote.s32 $0x1  }
0xc0: {  	_ =	sfence.sel $0xFFFF  }
0xc1: {  	[dreg:$0x0] =	wrdreg $0xFFFFFFFF;
	(pc) =	sbr.abs _section_cstart, $3  }
0xc2: {  	[dreg:$0x1] =	wrdreg $0xFFFFFFFF  }
0xc3: {  	_ =	task.clear_ibuf [dreg:s7], $0x2FFFF;
	_ =	strace $0x9FFFFFFF  }
0xc4: {  	(tm) =	ssettm $0x7FFFFFFF  }
0xc5: {  	_ =	shalt  }
tec
execute0_lowered:
.L_overlay_start_1:
0x0: {  	(tag) =	ssettag $0x1  }
0x1: {  	s0 =	rddreg [dreg:$0x0]  }
0x2: {  	s2 =	rddreg [dreg:$0x1]  }
0x3: {  	s1 =	rddreg [dreg:$0x2]  }
0x4: {  	s3 =	rddreg [dreg:$0x3];
	s4 =	simm.s32 $0x0;
	s5 =	srdreg.scid  }
0x5: {  	s18 =	stileid.u32;
	s29 =	simm.s32 $0xDD00;
	s30 =	simm.s32 $0x3  }
0x6: {  	s31 =	simm.s32 $0xFD00;
	[smem:$0x7FF] =	sst s4;
	s5 =	sand.u32 $0x1, s5  }
0x7: {  	s6 =	smul.u32 $0x280, s18;
	s7 =	sadd.s32 $0xA8800, s0;
	s9 =	sadd.s32 $0x9EA00, s0  }
0x8: {  	s10 =	sadd.s32 $0xB2600, s0;
	s15 =	sadd.s32 $0xB2C00, s0;
	s16 =	sadd.s32 $0xB2A00, s0  }
0x9: {  	s11 =	smul.u32 $0x28000, s18;
	_ =	strace $0x80000047;
	[dreg:$0x5] =	wrdreg s10  }
0xa: {  	s17 =	sadd.s32 $0xB3000, s0;
	s13 =	smul.u32 $0xA000, s18;
	[dreg:$0x6] =	wrdreg s15  }
0xb: {  	s19 =	sadd.s32 $0xB2E00, s0;
	s8 =	smul.u32 $0x2800, s5;
	[dreg:$0x7] =	wrdreg s16  }
0xc: {  	p1 =	sgt.u32 s18, $0x3;
	[dreg:$0x8] =	wrdreg s17;
	s15 =	smul.u32 $0x4E00, s18  }
0xd: {  	[dreg:$0x9] =	wrdreg s19;
	s21 =	ssub.s32 $0x2, s5;
	s17 =	smul.u32 $0x9D0, s18  }
0xe: {  	p0 =	seq.s32 s5, $0x0;
	s5 =	simm.s32 $0x1;
	s14 =	sshrl.u32 s21, $0x1  }
0xf: {  	s11 =	sshrl.u32 s11, $0x2;
	s22 =	sshrl.u32 s13, $0x2;
	s23 =	sadd.s32 $0x80, s6  }
0x10: {  	s26 =	sadd.s32 $0x100, s6;
	s19 =	sadd.s32 $0x200, s6;
	s8 =	sadd.s32 s6, s8  }
0x11: {  	s14 =	ssub.s32 s21, s14;
	s10 =	sadd.s32 s11, s1;
	s11 =	sadd.s32 s22, s3  }
0x12: {  	s15 =	sshrl.u32 s15, $0x3;
	s16 =	sshll.u32 s23, $0x6;
	s13 =	sshll.u32 s23, $0x4  }
0x13: {  	s25 =	sadd.s32 s9, s17;
	s20 =	sshll.u32 s8, $0x3;
	s15 =	sadd.s32 $0x40, s15  }
0x14: {  	s16 =	sadd.s32 s16, s1;
	[dreg:$0xe] =	wrdreg s25;
	s8 =	sshll.u32 s8, $0x1  }
0x15: {  	s13 =	sadd.s32 s13, s3;
	s25 =	sshll.u32 s19, $0x6;
	s28 =	smax.u32 s14, $0x1  }
0x16: {  	s12 =	sadd.s32 s20, s0;
	[dreg:$0xa] =	wrdreg s16;
	s24 =	sadd.s32 s7, s15  }
0x17: {  	s15 =	sadd.s32 s9, s15;
	s7 =	sadd.s32 s7, s17;
	[dreg:$0x10] =	wrdreg s13  }
0x18: {  	s9 =	sshll.u32 s26, $0x6;
	s2 =	sadd.s32 s2, s8;
	[dreg:$0xb] =	wrdreg s24  }
0x19: {  	s16 =	sshll.u32 s26, $0x4;
	s17 =	sadd.s32 $0x180, s6;
	[dreg:$0xc] =	wrdreg s15  }
0x1a: {  	s26 =	sshll.u32 s19, $0x4;
	s6 =	simm.s32 $0xBD00;
	[dreg:$0xd] =	wrdreg s7  }
0x1b: {  	s8 =	simm.s32 $0x0;
	[dreg:$0xf] =	wrdreg s2;
	s2 =	simm.s32 $0x13AE00  }
0x1c: {  	s15 =	sadd.s32 s9, s1;
	s21 =	sadd.s32 s16, s3;
	s24 =	sshll.u32 s17, $0x6  }
0x1d: {  	s7 =	simm.s32 $0x4;
	[dreg:$0x11] =	wrdreg s15;
	s2 =	simm.s32 @!p0 $0x2600  }
0x1e: {  	s22 =	sadd.s32 s24, s1;
	s24 =	sadd.s32 s25, s1;
	s25 =	sadd.s32 s26, s3  }
0x1f: {  	s26 =	sadd.s32 $0xB3200, s12;
	s20 =	sadd.s32 s2, s0;
	s0 =	sshll.u32 s17, $0x4  }
0x20: {  	s2 =	simm.s32 $0x80;
	s23 =	sadd.s32 s0, s3;
	s0 =	simm.s32 $0x9D00  }
.LBB2_1:
0x21: {  	s9 =	rddreg [dreg:$0x5]  }
0x22: {  	[tilespmem:s29], [sflag:$0x3] =	stream.linear.gather [hbm4b:s9+s4], $0x2000, $0x38;
	[tilespmem:$0x1D500] =	vst v63  }
0x23: {  	_ =	swait.ge [sflag:s30], $0x2000  }
0x24: {  	[sflag:s30] =	ssyncset.done $0x0  }
0x25: {  	s14 =	rddreg [dreg:$0x6];
	[sflag:s30] =	ssyncadd.s32 $0xFFFFE000  }
0x26: {  	[tilespmem:s31], [sflag:$0x3] =	stream.linear.gather [hbm4b:s14+s4], $0x800, $0x38;
	[tilespmem:$0x1D500] =	vst v63  }
0x27: {  	_ =	swait.ge [sflag:s30], $0x800  }
0x28: {  	[sflag:s30] =	ssyncset.done $0x0  }
0x29: {  	s12 =	simm.s32 $0x10500;
	s15 =	rddreg [dreg:$0x7];
	[sflag:s30] =	ssyncadd.s32 $0xFFFFF800  }
0x2a: {  	[tilespmem:s12], [sflag:$0x3] =	stream.linear.gather [hbm4b:s15+s4], $0x800, $0x38;
	[tilespmem:$0x1D500] =	vst v63  }
0x2b: {  	_ =	swait.ge [sflag:s30], $0x800  }
0x2c: {  	[sflag:s30] =	ssyncset.done $0x0  }
0x2d: {  	[sflag:s30] =	ssyncadd.s32 $0xFFFFF800  }
0x2e: {  	[spmem:s10] =	stream.linear.scatter [tilespmem:s29], [sflag:$0x3], $0x2000, $0x38;
	[tilespmem:$0x1D500] =	vst v63  }
0x2f: {  	_ =	swait.ge [sflag:s30], $0x2000  }
0x30: {  	[sflag:s30] =	ssyncset.done $0x0  }
0x31: {  	[sflag:s30] =	ssyncadd.s32 $0xFFFFE000  }
0x32: {  	[spmem:s11] =	stream.linear.scatter [tilespmem:s31], [sflag:$0x3], $0x800, $0x38;
	[tilespmem:$0x1D500] =	vst v63  }
0x33: {  	_ =	swait.ge [sflag:s30], $0x800  }
0x34: {  	[sflag:s30] =	ssyncset.done $0x0  }
0x35: {  	s16 =	rddreg [dreg:$0xa];
	[sflag:s30] =	ssyncadd.s32 $0xFFFFF800  }
0x36: {  	[spmem:s16] =	stream.linear.scatter [tilespmem:s29], [sflag:$0x3], $0x2000, $0x38;
	[tilespmem:$0x1D500] =	vst v63  }
0x37: {  	_ =	swait.ge [sflag:s30], $0x2000  }
0x38: {  	[sflag:s30] =	ssyncset.done $0x0  }
0x39: {  	s17 =	rddreg [dreg:$0x10];
	[sflag:s30] =	ssyncadd.s32 $0xFFFFE000  }
0x3a: {  	[spmem:s17] =	stream.linear.scatter [tilespmem:s31], [sflag:$0x3], $0x800, $0x38;
	[tilespmem:$0x1D500] =	vst v63  }
0x3b: {  	_ =	swait.ge [sflag:s30], $0x800  }
0x3c: {  	[sflag:s30] =	ssyncset.done $0x0  }
0x3d: {  	s18 =	rddreg [dreg:$0x11];
	[sflag:s30] =	ssyncadd.s32 $0xFFFFF800  }
0x3e: {  	[spmem:s18] =	stream.linear.scatter [tilespmem:s29], [sflag:$0x3], $0x2000, $0x38;
	[tilespmem:$0x1D500] =	vst v63  }
0x3f: {  	_ =	swait.ge [sflag:s30], $0x2000  }
0x40: {  	[sflag:s30] =	ssyncset.done $0x0  }
0x41: {  	[sflag:s30] =	ssyncadd.s32 $0xFFFFE000  }
0x42: {  	[spmem:s21] =	stream.linear.scatter [tilespmem:s31], [sflag:$0x3], $0x800, $0x38;
	[tilespmem:$0x1D500] =	vst v63  }
0x43: {  	_ =	swait.ge [sflag:s30], $0x800  }
0x44: {  	[sflag:s30] =	ssyncset.done $0x0  }
0x45: {  	[sflag:s30] =	ssyncadd.s32 $0xFFFFF800  }
0x46: {  	[spmem:s22] =	stream.linear.scatter [tilespmem:s29], [sflag:$0x3], $0x2000, $0x38;
	[tilespmem:$0x1D500] =	vst v63  }
0x47: {  	_ =	swait.ge [sflag:s30], $0x2000  }
0x48: {  	[sflag:s30] =	ssyncset.done $0x0  }
0x49: {  	[sflag:s30] =	ssyncadd.s32 $0xFFFFE000  }
0x4a: {  	[spmem:s23] =	stream.linear.scatter [tilespmem:s31], [sflag:$0x3], $0x800, $0x38;
	[tilespmem:$0x1D500] =	vst v63  }
0x4b: {  	_ =	swait.ge [sflag:s30], $0x800  }
0x4c: {  	[sflag:s30] =	ssyncset.done $0x0  }
0x4d: {  	[sflag:s30] =	ssyncadd.s32 $0xFFFFF800  }
0x4e: {  	[spmem:s24] =	stream.linear.scatter [tilespmem:s29], [sflag:$0x3], $0x2000, $0x38;
	[tilespmem:$0x1D500] =	vst v63  }
0x4f: {  	_ =	swait.ge [sflag:s30], $0x2000  }
0x50: {  	[sflag:s30] =	ssyncset.done $0x0  }
0x51: {  	[sflag:s30] =	ssyncadd.s32 $0xFFFFE000  }
0x52: {  	[spmem:s25] =	stream.linear.scatter [tilespmem:s31], [sflag:$0x3], $0x800, $0x38;
	[tilespmem:$0x1D500] =	vst v63  }
0x53: {  	_ =	swait.ge [sflag:s30], $0x800  }
0x54: {  	[sflag:s30] =	ssyncset.done $0x0  }
0x55: {  	[sflag:s30] =	ssyncadd.s32 $0xFFFFF800  }
0x56: {  	[bflag:$0x0] =	sbarrier.arrive $0xFFFF  }
0x57: {  	s9 =	simm.s32 @p1 $0x0;
	s12 =	rddreg [dreg:$0xb]  }
0x58: {  	[tilespmem:s9], [sflag:$0x3] =	stream.linear.gather @p1 [hbm4b:s12+s9], $0x4E00, $0x38;
	[tilespmem:$0x1D500] =	vst v63  }
0x59: {  	s12 =	simm.s32 @p1 $0x3  }
0x5a: {  	_ =	swait.ge @p1 [sflag:s12], $0x4E00  }
0x5b: {  	[sflag:s12] =	ssyncset.done @p1 $0x0  }
0x5c: {  	s13 =	simm.s32 @p1 $0x4E80;
	s14 =	rddreg [dreg:$0xc];
	[sflag:s12] =	ssyncadd.s32 @p1 $0xFFFFB200  }
0x5d: {  	[tilespmem:s13], [sflag:$0x3] =	stream.linear.gather @p1 [hbm4b:s14+s9], $0x4E00, $0x38;
	[tilespmem:$0x1D500] =	vst v63  }
0x5e: {  	_ =	swait.ge @p1 [sflag:s12], $0x4E00  }
0x5f: {  	[sflag:s12] =	ssyncset.done @p1 $0x0  }
0x60: {  	s13 =	simm.s32 @p1 $0x4E00;
	s14 =	rddreg [dreg:$0x8];
	[sflag:s12] =	ssyncadd.s32 @p1 $0xFFFFB200  }
0x61: {  	[tilespmem:s13], [sflag:$0x3] =	stream.linear.gather @p1 [hbm4b:s14+s9], $0x80, $0x38;
	[tilespmem:$0x1D500] =	vst v63  }
0x62: {  	_ =	swait.ge @p1 [sflag:s12], $0x80  }
0x63: {  	[sflag:s12] =	ssyncset.done @p1 $0x0  }
0x64: {  	s13 =	simm.s32 @p1 $0x9C80;
	s14 =	rddreg [dreg:$0x9];
	[sflag:s12] =	ssyncadd.s32 @p1 $0xFFFFFF80  }
0x65: {  	[tilespmem:s13], [sflag:$0x3] =	stream.linear.gather @p1 [hbm4b:s14+s9], $0x80, $0x38;
	[tilespmem:$0x1D500] =	vst v63  }
0x66: {  	_ =	swait.ge @p1 [sflag:s12], $0x80  }
0x67: {  	[sflag:s12] =	ssyncset.done @p1 $0x0  }
0x68: {  	s9 =	simm.s32 @!p1 $0x0;
	[sflag:s12] =	ssyncadd.s32 @p1 $0xFFFFFF80;
	s12 =	rddreg [dreg:$0xd]  }
0x69: {  	[tilespmem:s9], [sflag:$0x3] =	stream.linear.gather @!p1 [hbm4b:s12+s9], $0x4E80, $0x38;
	[tilespmem:$0x1D500] =	vst v63  }
0x6a: {  	s12 =	simm.s32 @!p1 $0x3  }
0x6b: {  	_ =	swait.ge @!p1 [sflag:s12], $0x4E80  }
0x6c: {  	[sflag:s12] =	ssyncset.done @!p1 $0x0  }
0x6d: {  	s13 =	simm.s32 @!p1 $0x4E80;
	s14 =	rddreg [dreg:$0xe];
	[sflag:s12] =	ssyncadd.s32 @!p1 $0xFFFFB180  }
0x6e: {  	[tilespmem:s13], [sflag:$0x3] =	stream.linear.gather @!p1 [hbm4b:s14+s9], $0x4E80, $0x38;
	[tilespmem:$0x1D500] =	vst v63  }
0x6f: {  	_ =	swait.ge @!p1 [sflag:s12], $0x4E80  }
0x70: {  	[sflag:s12] =	ssyncset.done @!p1 $0x0  }
0x71: {  	[sflag:s12] =	ssyncadd.s32 @!p1 $0xFFFFB180  }
0x72: {  	[tilespmem:s0], [sflag:$0x1] =	stream.indirect.gather [hbm4b:s20+s2], $0x40, s4, s2, $0xb8;
	[tilespmem:$0x1D500] =	vst v63  }
0x73: {  	_ =	swait.ge [sflag:s5], $0x2000  }
0x74: {  	[sflag:s5] =	ssyncset.done $0x0  }
0x75: {  	s19 =	simm.s32 $0x80;
	p2 =	por $0x0, $0x0;
	[sflag:s5] =	ssyncadd.s32 $0xFFFFE000  }
0x76: {  	[tilespmem:s6], [sflag:$0x2] =	stream.indirect.gather [hbm4b:s20+s2], $0x40, s19, s2, $0xb8;
	[tilespmem:$0x1D500] =	vst v63  }
0x77: {  	s13 =	simm.s32 $0x4E80;
	s9 =	simm.s32 $0x1;
	s12 =	simm.s32 $0x1  }
0x78: {  	[spmem:s1] =	stream.indirect.scatter.add.f32 [tilespmem:s0], [sflag:$0x4], $0x40, s13, s2, $0xb8;
	[tilespmem:$0x1D500] =	vst v63  }
0x79: {  	s9 =	simm.s32 @!p0 $0x0;
	s12 =	simm.s32 @!p2 $0x0;
	_ =	swait.ge [sflag:s7], $0x2000  }
0x7a: {  	p2 =	seq.s32 s9, s12;
	[sflag:s7] =	ssyncset.done $0x0  }
0x7b: {  	s14 =	simm.s32 @p2 $0x2;
	[sflag:s7] =	ssyncadd.s32 $0xFFFFE000  }
0x7c: {  	_ =	swait.ge @p2 [sflag:s14], $0x2000  }
0x7d: {  	s12 =	simm.s32 $0x100;
	[sflag:s14] =	ssyncset.done @p2 $0x0  }
0x7e: {  	s15 =	simm.s32 @p2 $0x9D00;
	[sflag:s14] =	ssyncadd.s32 @p2 $0xFFFFE000;
	s14 =	simm.s32 @p2 $0x80  }
0x7f: {  	[tilespmem:s15], [sflag:$0x1] =	stream.indirect.gather @p2 [hbm4b:s20+s14], $0x40, s12, s14, $0xb8;
	[tilespmem:$0x1D500] =	vst v63  }
0x80: {  	s16 =	simm.s32 @p2 $0xBD00;
	s17 =	simm.s32 @p2 $0x4;
	s15 =	simm.s32 @p2 $0x4F00  }
0x81: {  	[spmem:s1] =	stream.indirect.scatter.add.f32 @p2 [tilespmem:s16], [sflag:$0x4], $0x40, s15, s14, $0xb8;
	[tilespmem:$0x1D500] =	vst v63  }
0x82: {  	_ =	swait.ge @p2 [sflag:s17], $0x2000  }
0x83: {  	s14 =	simm.s32 @!p2 $0x4;
	[sflag:s17] =	ssyncset.done @p2 $0x0  }
0x84: {  	s15 =	simm.s32 @!p2 $0x80;
	s16 =	simm.s32 @!p2 $0x10500;
	[sflag:s17] =	ssyncadd.s32 @p2 $0xFFFFE000  }
0x85: {  	[spmem:s3] =	stream.indirect.scatter.add.f32 @!p2 [tilespmem:s16], [sflag:$0x4], $0x10, s13, s15, $0xb8;
	[tilespmem:$0x1D500] =	vst v63  }
0x86: {  	_ =	swait.ge @!p2 [sflag:s14], $0x800  }
0x87: {  	[sflag:s14] =	ssyncset.done @!p2 $0x0  }
0x88: {  	s13 =	simm.s32 @!p2 $0x2;
	[sflag:s14] =	ssyncadd.s32 @!p2 $0xFFFFF800  }
0x89: {  	_ =	swait.ge @!p2 [sflag:s13], $0x2000  }
0x8a: {  	[sflag:s13] =	ssyncset.done @!p2 $0x0  }
0x8b: {  	[sflag:s13] =	ssyncadd.s32 @!p2 $0xFFFFE000;
	s13 =	simm.s32 @!p2 $0x9D00  }
0x8c: {  	[tilespmem:s13], [sflag:$0x1] =	stream.indirect.gather @!p2 [hbm4b:s20+s15], $0x40, s12, s15, $0xb8;
	[tilespmem:$0x1D500] =	vst v63  }
0x8d: {  	s17 =	simm.s32 @!p2 $0xBD00;
	s13 =	simm.s32 @!p2 $0x4F00  }
0x8e: {  	[spmem:s1] =	stream.indirect.scatter.add.f32 @!p2 [tilespmem:s17], [sflag:$0x4], $0x40, s13, s15, $0xb8;
	[tilespmem:$0x1D500] =	vst v63  }
0x8f: {  	_ =	swait.ge @!p2 [sflag:s14], $0x2000  }
0x90: {  	[sflag:s14] =	ssyncset.done @!p2 $0x0  }
0x91: {  	[sflag:s14] =	ssyncadd.s32 @!p2 $0xFFFFE000  }
0x92: {  	[spmem:s3] =	stream.indirect.scatter.add.f32 @!p2 [tilespmem:s16], [sflag:$0x3], $0x10, s13, s15, $0xb8;
	[tilespmem:$0x1D500] =	vst v63  }
0x93: {  	s15 =	simm.s32 @!p2 $0x3  }
0x94: {  	_ =	swait.ge @!p2 [sflag:s15], $0x800  }
0x95: {  	s14 =	simm.s32 $0x4F80;
	s13 =	simm.s32 $0x1;
	[sflag:s15] =	ssyncset.done @!p2 $0x0  }
.LBB2_2:
0x96: {  	[sflag:s15] =	ssyncadd.s32 @!p2 $0xFFFFF800  }
0x97: {  	s12 =	sadd.s32 $0x100, s12;
	s15 =	smov.u32 s13;
	s13 =	sadd.s32 $0x1, s13  }
0x98: {  	_ =	swait.ge [sflag:s5], $0x2000;
	p3 =	sne.s32 s13, $0x4E  }
0x99: {  	[sflag:s5] =	ssyncset.done $0x0  }
0x9a: {  	s16 =	sadd.s32 $0xFFFFFF80, s12;
	[sflag:s5] =	ssyncadd.s32 $0xFFFFE000  }
0x9b: {  	[tilespmem:s6], [sflag:$0x2] =	stream.indirect.gather [hbm4b:s20+s2], $0x40, s16, s2, $0xb8;
	[tilespmem:$0x1D500] =	vst v63  }
0x9c: {  	p2 =	sgt.u32 s15, $0x26;
	s15 =	simm.s32 $0x1  }
0x9d: {  	[spmem:s1] =	stream.indirect.scatter.add.f32 [tilespmem:s0], [sflag:$0x4], $0x40, s14, s2, $0xb8;
	[tilespmem:$0x1D500] =	vst v63  }
0x9e: {  	s15 =	simm.s32 @!p2 $0x0;
	_ =	swait.ge [sflag:s7], $0x2000  }
0x9f: {  	p2 =	seq.s32 s9, s15;
	[sflag:s7] =	ssyncset.done $0x0  }
0xa0: {  	s15 =	simm.s32 @p2 $0x2;
	[sflag:s7] =	ssyncadd.s32 $0xFFFFE000  }
0xa1: {  	_ =	swait.ge @p2 [sflag:s15], $0x2000  }
0xa2: {  	[sflag:s15] =	ssyncset.done @p2 $0x0  }
0xa3: {  	s16 =	simm.s32 @p2 $0x9D00;
	[sflag:s15] =	ssyncadd.s32 @p2 $0xFFFFE000;
	s15 =	simm.s32 @p2 $0x80  }
0xa4: {  	[tilespmem:s16], [sflag:$0x1] =	stream.indirect.gather @p2 [hbm4b:s20+s15], $0x40, s12, s15, $0xb8;
	[tilespmem:$0x1D500] =	vst v63  }
0xa5: {  	s17 =	simm.s32 @p2 $0xBD00;
	s18 =	simm.s32 @p2 $0x4;
	s16 =	sadd.s32 @p2 $0x80, s14  }
0xa6: {  	[spmem:s1] =	stream.indirect.scatter.add.f32 @p2 [tilespmem:s17], [sflag:$0x4], $0x40, s16, s15, $0xb8;
	[tilespmem:$0x1D500] =	vst v63  }
0xa7: {  	_ =	swait.ge @p2 [sflag:s18], $0x2000  }
0xa8: {  	s15 =	simm.s32 @!p2 $0x4;
	[sflag:s18] =	ssyncset.done @p2 $0x0  }
0xa9: {  	s16 =	simm.s32 @!p2 $0x80;
	s17 =	simm.s32 @!p2 $0x10500;
	[sflag:s18] =	ssyncadd.s32 @p2 $0xFFFFE000  }
0xaa: {  	[spmem:s3] =	stream.indirect.scatter.add.f32 @!p2 [tilespmem:s17], [sflag:$0x4], $0x10, s14, s16, $0xb8;
	[tilespmem:$0x1D500] =	vst v63  }
0xab: {  	_ =	swait.ge @!p2 [sflag:s15], $0x800  }
0xac: {  	[sflag:s15] =	ssyncset.done @!p2 $0x0  }
0xad: {  	s18 =	simm.s32 @!p2 $0x2;
	[sflag:s15] =	ssyncadd.s32 @!p2 $0xFFFFF800  }
0xae: {  	_ =	swait.ge @!p2 [sflag:s18], $0x2000  }
0xaf: {  	[sflag:s18] =	ssyncset.done @!p2 $0x0  }
0xb0: {  	[sflag:s18] =	ssyncadd.s32 @!p2 $0xFFFFE000;
	s18 =	simm.s32 @!p2 $0x9D00  }
0xb1: {  	[tilespmem:s18], [sflag:$0x1] =	stream.indirect.gather @!p2 [hbm4b:s20+s16], $0x40, s12, s16, $0xb8;
	[tilespmem:$0x1D500] =	vst v63  }
0xb2: {  	s19 =	simm.s32 @!p2 $0xBD00;
	s18 =	sadd.s32 @!p2 $0x80, s14  }
0xb3: {  	[spmem:s1] =	stream.indirect.scatter.add.f32 @!p2 [tilespmem:s19], [sflag:$0x4], $0x40, s18, s16, $0xb8;
	[tilespmem:$0x1D500] =	vst v63  }
0xb4: {  	_ =	swait.ge @!p2 [sflag:s15], $0x2000  }
.Ltmp0:
0xb5: {  	[sflag:s15] =	ssyncset.done @!p2 $0x0;
	(pc) =	sbr.rel @p3 .LBB2_2-.Ltmp0, $4  }
0xb6: {  	[sflag:s15] =	ssyncadd.s32 @!p2 $0xFFFFE000;
	s15 =	simm.s32 @!p2 $0x3  }
0xb7: {  	[spmem:s3] =	stream.indirect.scatter.add.f32 @!p2 [tilespmem:s17], [sflag:$0x3], $0x10, s18, s16, $0xb8;
	[tilespmem:$0x1D500] =	vst v63  }
0xb8: {  	_ =	swait.ge @!p2 [sflag:s15], $0x800  }
0xb9: {  	s14 =	sadd.s32 $0x100, s14;
	[sflag:s15] =	ssyncset.done @!p2 $0x0  }
0xba: {  	[sflag:s15] =	ssyncadd.s32 @!p2 $0xFFFFF800  }
0xbb: {  	_ =	swait.ge [sflag:s5], $0x2000  }
0xbc: {  	[sflag:s5] =	ssyncset.done $0x0  }
0xbd: {  	s9 =	simm.s32 $0x9C80;
	[sflag:s5] =	ssyncadd.s32 $0xFFFFE000  }
0xbe: {  	[spmem:s1] =	stream.indirect.scatter.add.f32 [tilespmem:s0], [sflag:$0x3], $0x40, s9, s2, $0xb8;
	[tilespmem:$0x1D500] =	vst v63  }
0xbf: {  	_ =	swait.ge [sflag:s30], $0x2000  }
0xc0: {  	s12 =	simm.s32 @!p0 $0x9C80;
	[sflag:s30] =	ssyncset.done $0x0  }
0xc1: {  	s13 =	simm.s32 @!p0 $0x10500;
	s9 =	simm.s32 @!p0 $0x80;
	[sflag:s30] =	ssyncadd.s32 $0xFFFFE000  }
0xc2: {  	[spmem:s3] =	stream.indirect.scatter.add.f32 @!p0 [tilespmem:s13], [sflag:$0x3], $0x10, s12, s9, $0xb8;
	[tilespmem:$0x1D500] =	vst v63  }
0xc3: {  	s9 =	simm.s32 @!p0 $0x3  }
0xc4: {  	_ =	swait.ge @!p0 [sflag:s9], $0x800  }
0xc5: {  	s16 =	stileid.u32;
	[sflag:s9] =	ssyncset.done @!p0 $0x0  }
0xc6: {  	[sflag:s9] =	ssyncadd.s32 @!p0 $0xFFFFF800;
	s9 =	sshll.u32 s16, $0x6  }
0xc7: {  	s17 =	sshrl.u32 s10, $0x3;
	[bflag:$0x0] =	sbarrier.arrive $0xFFFF;
	s9 =	sor.u32 $0x1C03, s9  }
0xc8: {  	[hbm:s26], [sflag:s9] =	dma.local [spmem:s17], $0x1400  }
0xc9: {  	s8 =	sadd.s32 $0x1, s8;
	_ =	swait.ge [sflag:s30], $0x1400  }
0xca: {  	s18 =	sshrl.u32 s11, $0x3;
	p2 =	sne.s32 s8, s28;
	[sflag:s30] =	ssyncset.done $0x0  }
.Ltmp1:
0xcb: {  	s19 =	rddreg [dreg:$0xf];
	[sflag:s30] =	ssyncadd.s32 $0xFFFFEC00;
	(pc) =	sbr.rel @p2 .LBB2_1-.Ltmp1, $4  }
0xcc: {  	[hbm:s19], [sflag:s9] =	dma.local [spmem:s18], $0x500  }
0xcd: {  	_ =	swait.ge [sflag:s30], $0x500  }
0xce: {  	[sflag:s30] =	ssyncset.done $0x0  }
0xcf: {  	[sflag:s30] =	ssyncadd.s32 $0xFFFFFB00  }
0xd0: {  	_ =	sfence.sel $0x180000  }
0xd1: {  	[bflag:$0x0] =	sbarrier.arrive $0xFFFF  }
0xd2: {  	_ =	strace $0x90000047  }
0xd3: {  	s0 =	stileid.u32;
	[bflag:$0x2] =	sbarrier.arrive $0xFFFF  }
0xd4: {  	p0 =	sne.s32 s0, $0x0;
	s0 =	rddreg [dreg:$0x4]  }
0xd5: {  	s0 =	sadd.s32 @!p0 $0x100000, s0  }
0xd6: {  	[sflag:s0] =	ssyncadd.tile.s32 @!p0 $0x1;
	_ =	shalt  }
.Lfunc_end2:
_tile_overlayer_lowered:
.L_overlay_start_2:
0xd7: {  	(tag) =	ssettag $0x2  }
0xd8: {  	s0 =	rddreg [dreg:$0x0];
	s2 =	stileid.u32  }
0xd9: {  	s1 =	rddreg [dreg:$0x1];
	p0 =	sne.s32 s2, $0x0  }
0xda: {  	s3 =	rddreg [dreg:$0x2];
	[bflag:$0x3] =	sbarrier.arrive $0xFFFF;
	s2 =	simm.s32 @!p0 $0x1C03  }
0xdb: {  	[timem:s3], [sflag:s2] =	dma.local @!p0 [hbm:s0], s1  }
0xdc: {  	s0 =	simm.s32 @!p0 $0x3  }
0xdd: {  	_ =	swait.ge @!p0 [sflag:s0], s1  }
0xde: {  	s1 =	ssub.s32 @!p0 $0x0, s1;
	[sflag:s0] =	ssyncset.done @!p0 $0x0  }
0xdf: {  	[sflag:s0] =	ssyncadd.s32 @!p0 s1  }
0xe0: {  	[bflag:$0x3] =	sbarrier.arrive $0xFFFF  }
0xe1: {  	_ =	shalt  }

</sc_bundles>
